<compile_context>
chip_gen: v7x
topology: tpu7x:2x2x1
jax: 0.10.2.dev20260603
libtpu: 0.0.44.dev20260713+nightly
codegen_flags: <defaults>
</compile_context>

<pallas_src>
import functools

import jax
import jax.numpy as jnp
from jax import lax
from jax.experimental import pallas as pl
from jax.experimental.pallas import tpu as pltpu
from jax.experimental.pallas import tpu_sc as plsc

_N_PPR = 320000
_D = 128
_H = 128
_NCLS = 64
_NB = 10000

_CH = 128
_NCHUNK = _N_PPR // _CH
_NW = 32
_CBASE = _NCHUNK // _NW
_CEXTRA = _NCHUNK - _CBASE * _NW
_NBP = 10240
_ROWS_PER_SUB = _NBP // 16

_BLK = 6400


_NSTEP = _N_PPR // _BLK
_NSLAB = 2
_SLAB_ROWS = _N_PPR // _NSLAB
_SLAB_STEPS = _NSTEP // _NSLAB
_SLAB_CHUNKS = _NCHUNK // _NSLAB


def _make_emb_body(slab):
    def _emb_body(x_ref, s_ref, w1_ref, w2_ref, o_ref):
        h = jnp.maximum(
            jnp.dot(x_ref[...], w1_ref[...], preferred_element_type=jnp.float32), 0.0)
        e = jnp.dot(h, w2_ref[...], preferred_element_type=jnp.float32)
        i = pl.program_id(0) + slab * _SLAB_STEPS
        oh = (lax.broadcasted_iota(jnp.int32, (_NSTEP, _H), 0) == i)
        s_bcast = jnp.dot(s_ref[...], oh.astype(jnp.float32),
                          preferred_element_type=jnp.float32)
        o_ref[...] = e * s_bcast
    return _emb_body


def _emb_call(X, scores_cm, W1, W2, slab):
    return pl.pallas_call(
        _make_emb_body(slab),
        grid=(_SLAB_STEPS,),
        in_specs=[
            pl.BlockSpec((_BLK, _D), lambda i: (i + slab * _SLAB_STEPS, 0)),
            pl.BlockSpec((_BLK, _NSTEP), lambda i: (0, 0)),
            pl.BlockSpec((_D, _H), lambda i: (0, 0)),
            pl.BlockSpec((_H, _H), lambda i: (0, 0)),
        ],
        out_specs=pl.BlockSpec((_BLK, _H), lambda i: (i, 0)),
        out_shape=jax.ShapeDtypeStruct((_SLAB_ROWS, _H), jnp.float32),
    )(X, scores_cm, W1, W2)


_SCBASE = _SLAB_CHUNKS // _NW
_SCEXTRA = _SLAB_CHUNKS - _SCBASE * _NW


def _scatter_sc(emb, idx1d, zrows, slab):
    mesh = plsc.VectorSubcoreMesh(core_axis_name="c", subcore_axis_name="s")
    idx_off = slab * _SLAB_CHUNKS * _CH

    @functools.partial(
        pl.kernel,
        mesh=mesh,
        out_type=jax.ShapeDtypeStruct((2 * _NBP, _H), jnp.float32),
        scratch_types=[
            pltpu.VMEM((2, _CH), jnp.int32),
            pltpu.VMEM((2, _CH, _H), jnp.float32),
            pltpu.VMEM_SHARED((_NBP, _H), jnp.float32),
            pltpu.SemaphoreType.DMA,
            pltpu.SemaphoreType.DMA,
            pltpu.SemaphoreType.DMA,
            pltpu.SemaphoreType.DMA,
        ],
    )
    def k(emb_hbm, idx_hbm, z_hbm, out_hbm, idx_v, rows_v, acc,
          isem0, isem1, rsem0, rsem1):
        c = lax.axis_index("c")
        s = lax.axis_index("s")
        wid = s * 2 + c
        isem = (isem0, isem1)
        rsem = (rsem0, rsem1)
        pltpu.sync_copy(z_hbm, acc.at[pl.ds(s * _ROWS_PER_SUB, _ROWS_PER_SUB)])
        plsc.subcore_barrier()
        nch = _SCBASE + jnp.where(wid < _SCEXTRA, 1, 0)
        base = wid * _SCBASE + jnp.minimum(wid, _SCEXTRA)

        def _copies(j, b):
            ch = base + j
            return (
                pltpu.make_async_copy(
                    idx_hbm.at[pl.ds(idx_off + ch * _CH, _CH)], idx_v.at[b], isem[b]),
                pltpu.make_async_copy(
                    emb_hbm.at[pl.ds(ch * _CH, _CH)], rows_v.at[b], rsem[b]),
            )

        for cp in _copies(0, 0):
            cp.start()
        for cp in _copies(1, 1):
            cp.start()

        def body(g, carry):
            for b in range(2):
                j = 2 * g + b

                @pl.when(j < nch)
                def _():
                    for cp in _copies(j, b):
                        cp.wait()
                    pltpu.sync_copy(rows_v.at[b], acc.at[idx_v.at[b]], add=True)

                    @pl.when(j + 2 < nch)
                    def _():
                        for cp in _copies(j + 2, b):
                            cp.start()
            return carry

        lax.fori_loop(0, (_SCBASE + 2) // 2, body, 0)
        plsc.subcore_barrier()
        pl.delay(2000)
        plsc.subcore_barrier()
        pltpu.sync_copy(
            acc.at[pl.ds(s * _ROWS_PER_SUB, _ROWS_PER_SUB)],
            out_hbm.at[pl.ds(c * _NBP + s * _ROWS_PER_SUB, _ROWS_PER_SUB)])

    return k(emb, idx1d, zrows)


def _mlp_body(*refs):
    p_refs, (w3_ref, w4_ref, o_ref) = refs[:_NSLAB], refs[_NSLAB:]
    p = p_refs[0][0:_NB, :] + p_refs[0][_NBP:_NBP + _NB, :]
    for pr in p_refs[1:]:
        p = p + pr[0:_NB, :] + pr[_NBP:_NBP + _NB, :]
    h = jnp.maximum(
        jnp.dot(p, w3_ref[...], preferred_element_type=jnp.float32), 0.0)
    o_ref[...] = jnp.dot(h, w4_ref[...], preferred_element_type=jnp.float32)


def _mlp_call(partials, W3, W4):
    return pl.pallas_call(
        _mlp_body,
        out_shape=jax.ShapeDtypeStruct((_NB, _NCLS), jnp.float32),
    )(*partials, W3, W4)


def kernel(X, ppr_scores, ppr_idx, W1, W2, W3, W4):
    scores_cm = ppr_scores.reshape(_NSTEP, _BLK).T
    zrows = jnp.zeros((_ROWS_PER_SUB, _H), jnp.float32)
    partials = []
    for slab in range(_NSLAB):
        emb = _emb_call(X, scores_cm, W1, W2, slab)
        partials.append(_scatter_sc(emb, ppr_idx, zrows, slab))
    return _mlp_call(partials, W3, W4)

# --- scband reference (transcript-rebuilt; emitter-appended) ---
"""Pipeline reference for scband-pprgo-emmbedding-diffusions-61856118997531 (READ-ONLY COPY).

The authoritative reference and input builder live on the scoring server;
editing this copy changes nothing except your own understanding.
"""

import jax, jax.numpy as jnp
import numpy as np

N_PPR = 320000
D_FEAT = 128
HIDDEN = 128
N_CLASSES = 64
N_BATCH = 10000


def setup_inputs(seed: int = 0) -> dict:
    key = jax.random.key(seed)
    k1, k2, k3, k4, k5, k6, k7 = jax.random.split(key, 7)
    X = jax.random.normal(k1, (N_PPR, D_FEAT), dtype=jnp.float32)
    ppr_scores = jax.random.uniform(k2, (N_PPR,), dtype=jnp.float32)
    ppr_idx = jnp.sort(jax.random.randint(k3, (N_PPR,), 0, N_BATCH, dtype=jnp.int32))
    ppr_idx = ppr_idx.at[-1].set(N_BATCH - 1)
    # MLP weights (all Linear layers are bias=False). Stored as [in, out].
    W1 = jax.random.normal(k4, (D_FEAT, HIDDEN), dtype=jnp.float32) * (1.0 / np.sqrt(D_FEAT))
    W2 = jax.random.normal(k5, (HIDDEN, HIDDEN), dtype=jnp.float32) * (1.0 / np.sqrt(HIDDEN))
    W3 = jax.random.normal(k6, (HIDDEN, HIDDEN), dtype=jnp.float32) * (1.0 / np.sqrt(HIDDEN))
    W4 = jax.random.normal(k7, (HIDDEN, N_CLASSES), dtype=jnp.float32) * (1.0 / np.sqrt(HIDDEN))
    return {"X": X, "ppr_scores": ppr_scores, "ppr_idx": ppr_idx,
            "W1": W1, "W2": W2, "W3": W3, "W4": W4}


def reference(X, ppr_scores, ppr_idx, W1, W2, W3, W4):
    # PPRGoMLP (nlayers=ceil(4/2)=2): Linear -> ReLU -> Dropout(eval, no-op) -> Linear
    h = jax.nn.relu(X @ W1)
    embedding = h @ W2  # [N_PPR, HIDDEN]
    # scatter-sum aggregation over ppr_idx (dim_size = ppr_idx[-1] + 1)
    num_segments = N_BATCH
    propagated = jax.ops.segment_sum(embedding * ppr_scores[:, None], ppr_idx,
                                     num_segments=num_segments)  # [B, HIDDEN]
    # mlp_logits (nlayers=floor(4/2)=2): Linear -> ReLU -> Dropout(no-op) -> Linear
    h2 = jax.nn.relu(propagated @ W3)
    logits = h2 @ W4  # [B, N_CLASSES]
    return logits

if __name__ == "__main__":
    import jax
    _d = setup_inputs()
    print(jax.jit(kernel)(*tuple(_d.values())))

</pallas_src>

<mosaic_0001>
#map = affine_map<(d0, d1) -> (0, 0)>
#map1 = affine_map<(d0, d1) -> (0)>
module attributes {stable_mosaic.version = 14 : i64} {
  func.func @k(%arg0: i32, %arg1: i32, %arg2: memref<160000x128xf32, #tpu.memory_space<hbm>>, %arg3: memref<320000xi32, #tpu.memory_space<hbm>>, %arg4: memref<640x128xf32, #tpu.memory_space<hbm>>, %arg5: memref<20480x128xf32, #tpu.memory_space<hbm>>, %arg6: memref<2x128xi32, #tpu.memory_space<vmem>>, %arg7: memref<2x128x128xf32, #tpu.memory_space<vmem>>, %arg8: memref<10240x128xf32, #tpu.memory_space<vmem_shared>>, %arg9: memref<!tpu.dma_semaphore, #tpu.memory_space<semaphore_mem>>, %arg10: memref<!tpu.dma_semaphore, #tpu.memory_space<semaphore_mem>>, %arg11: memref<!tpu.dma_semaphore, #tpu.memory_space<semaphore_mem>>, %arg12: memref<!tpu.dma_semaphore, #tpu.memory_space<semaphore_mem>>) attributes {dimension_semantics = [#tpu.dimension_semantics<core_parallel>, #tpu.dimension_semantics<subcore_parallel>], iteration_bounds = array<i64: 2, 16>, scalar_prefetch = 0 : i64, scratch_operands = 7 : i64, tpu.core_type = #tpu.core_type<sc_vector_subcore>, window_params = [{transform_indices = #map}, {transform_indices = #map1}, {transform_indices = #map}, {transform_indices = #map}]} {
    %mul3A = arith.constant 2 : i32
    %mul3A_0 = arith.muli %arg1, %mul3A : i32
    %add3A = arith.addi %mul3A_0, %arg0 : i32
    %mul3A_1 = arith.constant 640 : i32
    %mul3A_2 = arith.muli %arg1, %mul3A_1 : i32
    "tpu.region"() ({
      %run_scoped3A = tpu.sem_alloc : memref<!tpu.dma_semaphore, #tpu.memory_space<semaphore_mem>>
      %dma_start3A_84 = arith.constant 0 : i32
      %dma_start3A_85 = tpu.memref_slice %arg8[%mul3A_2, %dma_start3A_84] : memref<10240x128xf32, #tpu.memory_space<vmem_shared>> -> memref<640x128xf32, #tpu.memory_space<vmem_shared>>
      tpu.enqueue_dma source(%arg4 : memref<640x128xf32, #tpu.memory_space<hbm>>) target(%dma_start3A_85 : memref<640x128xf32, #tpu.memory_space<vmem_shared>>) target_semaphore(%run_scoped3A : memref<!tpu.dma_semaphore, #tpu.memory_space<semaphore_mem>>)
      %dma_wait3A = arith.constant 0 : i32
      %dma_wait3A_86 = tpu.memref_slice %arg8[%mul3A_2, %dma_wait3A] : memref<10240x128xf32, #tpu.memory_space<vmem_shared>> -> memref<640x128xf32, #tpu.memory_space<vmem_shared>>
      tpu.wait_dma2 semaphore(%run_scoped3A : memref<!tpu.dma_semaphore, #tpu.memory_space<semaphore_mem>>) src(%arg4 : memref<640x128xf32, #tpu.memory_space<hbm>>) dst(%dma_wait3A_86 : memref<640x128xf32, #tpu.memory_space<vmem_shared>>)
      tpu.yield
    }) : () -> ()
    %barrier3A = arith.constant 0 : index
    tpu.barrier barrier_id(%barrier3A)
    %lt3A = arith.constant 2 : i32
    %lt3A_3 = arith.cmpi slt, %add3A, %lt3A : i32
    %jit3A = arith.constant 1 : i32
    %jit3A_4 = arith.constant 0 : i32
    %select_n3A = arith.select %lt3A_3, %jit3A, %jit3A_4 : i32
    %add3A_5 = arith.constant 39 : i32
    %add3A_6 = arith.addi %add3A_5, %select_n3A : i32
    %mul3A_7 = arith.constant 39 : i32
    %mul3A_8 = arith.muli %add3A, %mul3A_7 : i32
    %min3A = arith.constant 2 : i32
    %min3A_9 = arith.minsi %add3A, %min3A : i32
    %add3A_10 = arith.addi %mul3A_8, %min3A_9 : i32
    %add3A_11 = arith.constant 0 : i32
    %add3A_12 = arith.addi %add3A_10, %add3A_11 : i32
    %mul3A_13 = arith.constant 128 : i32
    %mul3A_14 = arith.muli %add3A_12, %mul3A_13 : i32
    %add3A_15 = arith.constant 0 : i32
    %add3A_16 = arith.addi %add3A_15, %mul3A_14 : i32
    %mul3A_17 = arith.constant 128 : i32
    %mul3A_18 = arith.muli %add3A_12, %mul3A_17 : i32
    %dma_start3A = arith.constant 0 : i32
    %dma_start3A_19 = arith.constant 0 : i32
    %dma_start3A_20 = tpu.memref_slice %arg6[%dma_start3A, %dma_start3A_19] : memref<2x128xi32, #tpu.memory_space<vmem>> -> memref<1x128xi32, #tpu.memory_space<vmem>>
    %dma_start3A_21 = tpu.memref_squeeze %dma_start3A_20 : memref<1x128xi32, #tpu.memory_space<vmem>> -> memref<128xi32, #tpu.memory_space<vmem>>
    %dma_start3A_22 = tpu.memref_slice %arg3[%add3A_16] : memref<320000xi32, #tpu.memory_space<hbm>> -> memref<128xi32, #tpu.memory_space<hbm>>
    %dma_start3A_23 = arith.constant 0 : i32
    %dma_start3A_24 = tpu.memref_slice %arg6[%dma_start3A, %dma_start3A_23] : memref<2x128xi32, #tpu.memory_space<vmem>> -> memref<1x128xi32, #tpu.memory_space<vmem>>
    %dma_start3A_25 = tpu.memref_squeeze %dma_start3A_24 : memref<1x128xi32, #tpu.memory_space<vmem>> -> memref<128xi32, #tpu.memory_space<vmem>>
    %dma_start3A_26 = tpu.memref_slice %arg3[%add3A_16] : memref<320000xi32, #tpu.memory_space<hbm>> -> memref<128xi32, #tpu.memory_space<hbm>>
    tpu.enqueue_dma source(%dma_start3A_26 : memref<128xi32, #tpu.memory_space<hbm>>) target(%dma_start3A_25 : memref<128xi32, #tpu.memory_space<vmem>>) target_semaphore(%arg9 : memref<!tpu.dma_semaphore, #tpu.memory_space<semaphore_mem>>)
    %dma_start3A_27 = arith.constant 0 : i32
    %dma_start3A_28 = arith.constant 0 : i32
    %dma_start3A_29 = arith.constant 0 : i32
    %dma_start3A_30 = tpu.memref_slice %arg7[%dma_start3A_27, %dma_start3A_28, %dma_start3A_29] : memref<2x128x128xf32, #tpu.memory_space<vmem>> -> memref<1x128x128xf32, #tpu.memory_space<vmem>>
    %dma_start3A_31 = tpu.memref_squeeze %dma_start3A_30 : memref<1x128x128xf32, #tpu.memory_space<vmem>> -> memref<128x128xf32, #tpu.memory_space<vmem>>
    %dma_start3A_32 = arith.constant 0 : i32
    %dma_start3A_33 = tpu.memref_slice %arg2[%mul3A_18, %dma_start3A_32] : memref<160000x128xf32, #tpu.memory_space<hbm>> -> memref<128x128xf32, #tpu.memory_space<hbm>>
    %dma_start3A_34 = arith.constant 0 : i32
    %dma_start3A_35 = arith.constant 0 : i32
    %dma_start3A_36 = tpu.memref_slice %arg7[%dma_start3A_27, %dma_start3A_34, %dma_start3A_35] : memref<2x128x128xf32, #tpu.memory_space<vmem>> -> memref<1x128x128xf32, #tpu.memory_space<vmem>>
    %dma_start3A_37 = tpu.memref_squeeze %dma_start3A_36 : memref<1x128x128xf32, #tpu.memory_space<vmem>> -> memref<128x128xf32, #tpu.memory_space<vmem>>
    %dma_start3A_38 = arith.constant 0 : i32
    %dma_start3A_39 = tpu.memref_slice %arg2[%mul3A_18, %dma_start3A_38] : memref<160000x128xf32, #tpu.memory_space<hbm>> -> memref<128x128xf32, #tpu.memory_space<hbm>>
    tpu.enqueue_dma source(%dma_start3A_39 : memref<128x128xf32, #tpu.memory_space<hbm>>) target(%dma_start3A_37 : memref<128x128xf32, #tpu.memory_space<vmem>>) target_semaphore(%arg11 : memref<!tpu.dma_semaphore, #tpu.memory_space<semaphore_mem>>)
    %add3A_40 = arith.constant 1 : i32
    %add3A_41 = arith.addi %add3A_10, %add3A_40 : i32
    %mul3A_42 = arith.constant 128 : i32
    %mul3A_43 = arith.muli %add3A_41, %mul3A_42 : i32
    %add3A_44 = arith.constant 0 : i32
    %add3A_45 = arith.addi %add3A_44, %mul3A_43 : i32
    %mul3A_46 = arith.constant 128 : i32
    %mul3A_47 = arith.muli %add3A_41, %mul3A_46 : i32
    %dma_start3A_48 = arith.constant 1 : i32
    %dma_start3A_49 = arith.constant 0 : i32
    %dma_start3A_50 = tpu.memref_slice %arg6[%dma_start3A_48, %dma_start3A_49] : memref<2x128xi32, #tpu.memory_space<vmem>> -> memref<1x128xi32, #tpu.memory_space<vmem>>
    %dma_start3A_51 = tpu.memref_squeeze %dma_start3A_50 : memref<1x128xi32, #tpu.memory_space<vmem>> -> memref<128xi32, #tpu.memory_space<vmem>>
    %dma_start3A_52 = tpu.memref_slice %arg3[%add3A_45] : memref<320000xi32, #tpu.memory_space<hbm>> -> memref<128xi32, #tpu.memory_space<hbm>>
    %dma_start3A_53 = arith.constant 0 : i32
    %dma_start3A_54 = tpu.memref_slice %arg6[%dma_start3A_48, %dma_start3A_53] : memref<2x128xi32, #tpu.memory_space<vmem>> -> memref<1x128xi32, #tpu.memory_space<vmem>>
    %dma_start3A_55 = tpu.memref_squeeze %dma_start3A_54 : memref<1x128xi32, #tpu.memory_space<vmem>> -> memref<128xi32, #tpu.memory_space<vmem>>
    %dma_start3A_56 = tpu.memref_slice %arg3[%add3A_45] : memref<320000xi32, #tpu.memory_space<hbm>> -> memref<128xi32, #tpu.memory_space<hbm>>
    tpu.enqueue_dma source(%dma_start3A_56 : memref<128xi32, #tpu.memory_space<hbm>>) target(%dma_start3A_55 : memref<128xi32, #tpu.memory_space<vmem>>) target_semaphore(%arg10 : memref<!tpu.dma_semaphore, #tpu.memory_space<semaphore_mem>>)
    %dma_start3A_57 = arith.constant 1 : i32
    %dma_start3A_58 = arith.constant 0 : i32
    %dma_start3A_59 = arith.constant 0 : i32
    %dma_start3A_60 = tpu.memref_slice %arg7[%dma_start3A_57, %dma_start3A_58, %dma_start3A_59] : memref<2x128x128xf32, #tpu.memory_space<vmem>> -> memref<1x128x128xf32, #tpu.memory_space<vmem>>
    %dma_start3A_61 = tpu.memref_squeeze %dma_start3A_60 : memref<1x128x128xf32, #tpu.memory_space<vmem>> -> memref<128x128xf32, #tpu.memory_space<vmem>>
    %dma_start3A_62 = arith.constant 0 : i32
    %dma_start3A_63 = tpu.memref_slice %arg2[%mul3A_47, %dma_start3A_62] : memref<160000x128xf32, #tpu.memory_space<hbm>> -> memref<128x128xf32, #tpu.memory_space<hbm>>
    %dma_start3A_64 = arith.constant 0 : i32
    %dma_start3A_65 = arith.constant 0 : i32
    %dma_start3A_66 = tpu.memref_slice %arg7[%dma_start3A_57, %dma_start3A_64, %dma_start3A_65] : memref<2x128x128xf32, #tpu.memory_space<vmem>> -> memref<1x128x128xf32, #tpu.memory_space<vmem>>
    %dma_start3A_67 = tpu.memref_squeeze %dma_start3A_66 : memref<1x128x128xf32, #tpu.memory_space<vmem>> -> memref<128x128xf32, #tpu.memory_space<vmem>>
    %dma_start3A_68 = arith.constant 0 : i32
    %dma_start3A_69 = tpu.memref_slice %arg2[%mul3A_47, %dma_start3A_68] : memref<160000x128xf32, #tpu.memory_space<hbm>> -> memref<128x128xf32, #tpu.memory_space<hbm>>
    tpu.enqueue_dma source(%dma_start3A_69 : memref<128x128xf32, #tpu.memory_space<hbm>>) target(%dma_start3A_67 : memref<128x128xf32, #tpu.memory_space<vmem>>) target_semaphore(%arg12 : memref<!tpu.dma_semaphore, #tpu.memory_space<semaphore_mem>>)
    %scan3A = arith.constant 0 : i32
    %scan3A_70 = arith.constant 0 : i32
    %scan3A_71 = arith.constant 20 : i32
    %scan3A_72 = arith.addi %scan3A_70, %scan3A_71 : i32
    %scan3A_73 = arith.constant 1 : i32
    scf.for %scan3A_84 = %scan3A_70 to %scan3A_72 step %scan3A_73  : i32 {
      %mul3A_85 = arith.constant 2 : i32
      %mul3A_86 = arith.muli %mul3A_85, %scan3A_84 : i32
      %add3A_87 = arith.constant 0 : i32
      %add3A_88 = arith.addi %mul3A_86, %add3A_87 : i32
      %lt3A_89 = arith.cmpi slt, %add3A_88, %add3A_6 : i32
      %convert_element_type3A = arith.extui %lt3A_89 : i1 to i32
      %cond3A = arith.constant 0 : i32
      %cond3A_90 = arith.cmpi ne, %convert_element_type3A, %cond3A : i32
      scf.if %cond3A_90 {
        %add3A_99 = arith.addi %add3A_10, %add3A_88 : i32
        %mul3A_100 = arith.constant 128 : i32
        %mul3A_101 = arith.muli %add3A_99, %mul3A_100 : i32
        %add3A_102 = arith.constant 0 : i32
        %add3A_103 = arith.addi %add3A_102, %mul3A_101 : i32
        %mul3A_104 = arith.constant 128 : i32
        %mul3A_105 = arith.muli %add3A_99, %mul3A_104 : i32
        %dma_wait3A = arith.constant 0 : i32
        %dma_wait3A_106 = arith.constant 0 : i32
        %dma_wait3A_107 = tpu.memref_slice %arg6[%dma_wait3A, %dma_wait3A_106] : memref<2x128xi32, #tpu.memory_space<vmem>> -> memref<1x128xi32, #tpu.memory_space<vmem>>
        %dma_wait3A_108 = tpu.memref_squeeze %dma_wait3A_107 : memref<1x128xi32, #tpu.memory_space<vmem>> -> memref<128xi32, #tpu.memory_space<vmem>>
        %dma_wait3A_109 = tpu.memref_slice %arg3[%add3A_103] : memref<320000xi32, #tpu.memory_space<hbm>> -> memref<128xi32, #tpu.memory_space<hbm>>
        %dma_wait3A_110 = arith.constant 0 : i32
        %dma_wait3A_111 = tpu.memref_slice %arg6[%dma_wait3A, %dma_wait3A_110] : memref<2x128xi32, #tpu.memory_space<vmem>> -> memref<1x128xi32, #tpu.memory_space<vmem>>
        %dma_wait3A_112 = tpu.memref_squeeze %dma_wait3A_111 : memref<1x128xi32, #tpu.memory_space<vmem>> -> memref<128xi32, #tpu.memory_space<vmem>>
        %dma_wait3A_113 = tpu.memref_slice %arg3[%add3A_103] : memref<320000xi32, #tpu.memory_space<hbm>> -> memref<128xi32, #tpu.memory_space<hbm>>
        tpu.wait_dma2 semaphore(%arg9 : memref<!tpu.dma_semaphore, #tpu.memory_space<semaphore_mem>>) src(%dma_wait3A_113 : memref<128xi32, #tpu.memory_space<hbm>>) dst(%dma_wait3A_112 : memref<128xi32, #tpu.memory_space<vmem>>)
        %dma_wait3A_114 = arith.constant 0 : i32
        %dma_wait3A_115 = arith.constant 0 : i32
        %dma_wait3A_116 = arith.constant 0 : i32
        %dma_wait3A_117 = tpu.memref_slice %arg7[%dma_wait3A_114, %dma_wait3A_115, %dma_wait3A_116] : memref<2x128x128xf32, #tpu.memory_space<vmem>> -> memref<1x128x128xf32, #tpu.memory_space<vmem>>
        %dma_wait3A_118 = tpu.memref_squeeze %dma_wait3A_117 : memref<1x128x128xf32, #tpu.memory_space<vmem>> -> memref<128x128xf32, #tpu.memory_space<vmem>>
        %dma_wait3A_119 = arith.constant 0 : i32
        %dma_wait3A_120 = tpu.memref_slice %arg2[%mul3A_105, %dma_wait3A_119] : memref<160000x128xf32, #tpu.memory_space<hbm>> -> memref<128x128xf32, #tpu.memory_space<hbm>>
        %dma_wait3A_121 = arith.constant 0 : i32
        %dma_wait3A_122 = arith.constant 0 : i32
        %dma_wait3A_123 = tpu.memref_slice %arg7[%dma_wait3A_114, %dma_wait3A_121, %dma_wait3A_122] : memref<2x128x128xf32, #tpu.memory_space<vmem>> -> memref<1x128x128xf32, #tpu.memory_space<vmem>>
        %dma_wait3A_124 = tpu.memref_squeeze %dma_wait3A_123 : memref<1x128x128xf32, #tpu.memory_space<vmem>> -> memref<128x128xf32, #tpu.memory_space<vmem>>
        %dma_wait3A_125 = arith.constant 0 : i32
        %dma_wait3A_126 = tpu.memref_slice %arg2[%mul3A_105, %dma_wait3A_125] : memref<160000x128xf32, #tpu.memory_space<hbm>> -> memref<128x128xf32, #tpu.memory_space<hbm>>
        tpu.wait_dma2 semaphore(%arg11 : memref<!tpu.dma_semaphore, #tpu.memory_space<semaphore_mem>>) src(%dma_wait3A_126 : memref<128x128xf32, #tpu.memory_space<hbm>>) dst(%dma_wait3A_124 : memref<128x128xf32, #tpu.memory_space<vmem>>)
        %run_scoped3A = arith.constant 0 : i32
        %run_scoped3A_127 = arith.constant 0 : i32
        "tpu.region"() ({
          %run_scoped3A_134 = tpu.sem_alloc : memref<!tpu.dma_semaphore, #tpu.memory_space<semaphore_mem>>
          %dma_start3A_135 = arith.constant 0 : i32
          %dma_start3A_136 = arith.constant 0 : i32
          %dma_start3A_137 = tpu.memref_slice %arg7[%run_scoped3A, %dma_start3A_135, %dma_start3A_136] : memref<2x128x128xf32, #tpu.memory_space<vmem>> -> memref<1x128x128xf32, #tpu.memory_space<vmem>>
          %dma_start3A_138 = tpu.memref_squeeze %dma_start3A_137 : memref<1x128x128xf32, #tpu.memory_space<vmem>> -> memref<128x128xf32, #tpu.memory_space<vmem>>
          %dma_start3A_139 = arith.constant 0 : i32
          %dma_start3A_140 = tpu.memref_slice %arg6[%run_scoped3A_127, %dma_start3A_139] : memref<2x128xi32, #tpu.memory_space<vmem>> -> memref<1x128xi32, #tpu.memory_space<vmem>>
          %dma_start3A_141 = tpu.memref_squeeze %dma_start3A_140 : memref<1x128xi32, #tpu.memory_space<vmem>> -> memref<128xi32, #tpu.memory_space<vmem>>
          %dma_start3A_142 = arith.constant 0 : i32
          %dma_start3A_143 = arith.constant 0 : i32
          %dma_start3A_144 = tpu.memref_slice %arg8[%dma_start3A_142, %dma_start3A_143] : memref<10240x128xf32, #tpu.memory_space<vmem_shared>> -> memref<10240x128xf32, #tpu.memory_space<vmem_shared>>
          tpu.enqueue_indirect_dma source(%dma_start3A_138 : memref<128x128xf32, #tpu.memory_space<vmem>>) target(%dma_start3A_144 : memref<10240x128xf32, #tpu.memory_space<vmem_shared>>) offsets(%dma_start3A_141 : memref<128xi32, #tpu.memory_space<vmem>>) semaphore(%run_scoped3A_134 : memref<!tpu.dma_semaphore, #tpu.memory_space<semaphore_mem>>) {add = true}
          %dma_wait3A_145 = arith.constant 0 : i32
          %dma_wait3A_146 = arith.constant 0 : i32
          %dma_wait3A_147 = tpu.memref_slice %arg7[%run_scoped3A, %dma_wait3A_145, %dma_wait3A_146] : memref<2x128x128xf32, #tpu.memory_space<vmem>> -> memref<1x128x128xf32, #tpu.memory_space<vmem>>
          %dma_wait3A_148 = tpu.memref_squeeze %dma_wait3A_147 : memref<1x128x128xf32, #tpu.memory_space<vmem>> -> memref<128x128xf32, #tpu.memory_space<vmem>>
          %dma_wait3A_149 = arith.constant 0 : i32
          %dma_wait3A_150 = tpu.memref_slice %arg6[%run_scoped3A_127, %dma_wait3A_149] : memref<2x128xi32, #tpu.memory_space<vmem>> -> memref<1x128xi32, #tpu.memory_space<vmem>>
          %dma_wait3A_151 = tpu.memref_squeeze %dma_wait3A_150 : memref<1x128xi32, #tpu.memory_space<vmem>> -> memref<128xi32, #tpu.memory_space<vmem>>
          %dma_wait3A_152 = arith.constant 0 : i32
          %dma_wait3A_153 = arith.constant 0 : i32
          %dma_wait3A_154 = tpu.memref_slice %arg8[%dma_wait3A_152, %dma_wait3A_153] : memref<10240x128xf32, #tpu.memory_space<vmem_shared>> -> memref<10240x128xf32, #tpu.memory_space<vmem_shared>>
          tpu.wait_indirect_dma semaphore(%run_scoped3A_134 : memref<!tpu.dma_semaphore, #tpu.memory_space<semaphore_mem>>) src(%dma_wait3A_148 : memref<128x128xf32, #tpu.memory_space<vmem>>) dst(%dma_wait3A_154 : memref<10240x128xf32, #tpu.memory_space<vmem_shared>>)
          tpu.yield
        }) : () -> ()
        %add3A_128 = arith.constant 2 : i32
        %add3A_129 = arith.addi %add3A_88, %add3A_128 : i32
        %lt3A_130 = arith.cmpi slt, %add3A_129, %add3A_6 : i32
        %convert_element_type3A_131 = arith.extui %lt3A_130 : i1 to i32
        %cond3A_132 = arith.constant 0 : i32
        %cond3A_133 = arith.cmpi ne, %convert_element_type3A_131, %cond3A_132 : i32
        scf.if %cond3A_133 {
          %add3A_134 = arith.constant 2 : i32
          %add3A_135 = arith.addi %add3A_88, %add3A_134 : i32
          %add3A_136 = arith.addi %add3A_10, %add3A_135 : i32
          %mul3A_137 = arith.constant 128 : i32
          %mul3A_138 = arith.muli %add3A_136, %mul3A_137 : i32
          %add3A_139 = arith.constant 0 : i32
          %add3A_140 = arith.addi %add3A_139, %mul3A_138 : i32
          %mul3A_141 = arith.constant 128 : i32
          %mul3A_142 = arith.muli %add3A_136, %mul3A_141 : i32
          %dma_start3A_143 = arith.constant 0 : i32
          %dma_start3A_144 = arith.constant 0 : i32
          %dma_start3A_145 = tpu.memref_slice %arg6[%dma_start3A_143, %dma_start3A_144] : memref<2x128xi32, #tpu.memory_space<vmem>> -> memref<1x128xi32, #tpu.memory_space<vmem>>
          %dma_start3A_146 = tpu.memref_squeeze %dma_start3A_145 : memref<1x128xi32, #tpu.memory_space<vmem>> -> memref<128xi32, #tpu.memory_space<vmem>>
          %dma_start3A_147 = tpu.memref_slice %arg3[%add3A_140] : memref<320000xi32, #tpu.memory_space<hbm>> -> memref<128xi32, #tpu.memory_space<hbm>>
          %dma_start3A_148 = arith.constant 0 : i32
          %dma_start3A_149 = tpu.memref_slice %arg6[%dma_start3A_143, %dma_start3A_148] : memref<2x128xi32, #tpu.memory_space<vmem>> -> memref<1x128xi32, #tpu.memory_space<vmem>>
          %dma_start3A_150 = tpu.memref_squeeze %dma_start3A_149 : memref<1x128xi32, #tpu.memory_space<vmem>> -> memref<128xi32, #tpu.memory_space<vmem>>
          %dma_start3A_151 = tpu.memref_slice %arg3[%add3A_140] : memref<320000xi32, #tpu.memory_space<hbm>> -> memref<128xi32, #tpu.memory_space<hbm>>
          tpu.enqueue_dma source(%dma_start3A_151 : memref<128xi32, #tpu.memory_space<hbm>>) target(%dma_start3A_150 : memref<128xi32, #tpu.memory_space<vmem>>) target_semaphore(%arg9 : memref<!tpu.dma_semaphore, #tpu.memory_space<semaphore_mem>>)
          %dma_start3A_152 = arith.constant 0 : i32
          %dma_start3A_153 = arith.constant 0 : i32
          %dma_start3A_154 = arith.constant 0 : i32
          %dma_start3A_155 = tpu.memref_slice %arg7[%dma_start3A_152, %dma_start3A_153, %dma_start3A_154] : memref<2x128x128xf32, #tpu.memory_space<vmem>> -> memref<1x128x128xf32, #tpu.memory_space<vmem>>
          %dma_start3A_156 = tpu.memref_squeeze %dma_start3A_155 : memref<1x128x128xf32, #tpu.memory_space<vmem>> -> memref<128x128xf32, #tpu.memory_space<vmem>>
          %dma_start3A_157 = arith.constant 0 : i32
          %dma_start3A_158 = tpu.memref_slice %arg2[%mul3A_142, %dma_start3A_157] : memref<160000x128xf32, #tpu.memory_space<hbm>> -> memref<128x128xf32, #tpu.memory_space<hbm>>
          %dma_start3A_159 = arith.constant 0 : i32
          %dma_start3A_160 = arith.constant 0 : i32
          %dma_start3A_161 = tpu.memref_slice %arg7[%dma_start3A_152, %dma_start3A_159, %dma_start3A_160] : memref<2x128x128xf32, #tpu.memory_space<vmem>> -> memref<1x128x128xf32, #tpu.memory_space<vmem>>
          %dma_start3A_162 = tpu.memref_squeeze %dma_start3A_161 : memref<1x128x128xf32, #tpu.memory_space<vmem>> -> memref<128x128xf32, #tpu.memory_space<vmem>>
          %dma_start3A_163 = arith.constant 0 : i32
          %dma_start3A_164 = tpu.memref_slice %arg2[%mul3A_142, %dma_start3A_163] : memref<160000x128xf32, #tpu.memory_space<hbm>> -> memref<128x128xf32, #tpu.memory_space<hbm>>
          tpu.enqueue_dma source(%dma_start3A_164 : memref<128x128xf32, #tpu.memory_space<hbm>>) target(%dma_start3A_162 : memref<128x128xf32, #tpu.memory_space<vmem>>) target_semaphore(%arg11 : memref<!tpu.dma_semaphore, #tpu.memory_space<semaphore_mem>>)
        } else {
        }
      } else {
      }
      %mul3A_91 = arith.constant 2 : i32
      %mul3A_92 = arith.muli %mul3A_91, %scan3A_84 : i32
      %add3A_93 = arith.constant 1 : i32
      %add3A_94 = arith.addi %mul3A_92, %add3A_93 : i32
      %lt3A_95 = arith.cmpi slt, %add3A_94, %add3A_6 : i32
      %convert_element_type3A_96 = arith.extui %lt3A_95 : i1 to i32
      %cond3A_97 = arith.constant 0 : i32
      %cond3A_98 = arith.cmpi ne, %convert_element_type3A_96, %cond3A_97 : i32
      scf.if %cond3A_98 {
        %add3A_99 = arith.addi %add3A_10, %add3A_94 : i32
        %mul3A_100 = arith.constant 128 : i32
        %mul3A_101 = arith.muli %add3A_99, %mul3A_100 : i32
        %add3A_102 = arith.constant 0 : i32
        %add3A_103 = arith.addi %add3A_102, %mul3A_101 : i32
        %mul3A_104 = arith.constant 128 : i32
        %mul3A_105 = arith.muli %add3A_99, %mul3A_104 : i32
        %dma_wait3A = arith.constant 1 : i32
        %dma_wait3A_106 = arith.constant 0 : i32
        %dma_wait3A_107 = tpu.memref_slice %arg6[%dma_wait3A, %dma_wait3A_106] : memref<2x128xi32, #tpu.memory_space<vmem>> -> memref<1x128xi32, #tpu.memory_space<vmem>>
        %dma_wait3A_108 = tpu.memref_squeeze %dma_wait3A_107 : memref<1x128xi32, #tpu.memory_space<vmem>> -> memref<128xi32, #tpu.memory_space<vmem>>
        %dma_wait3A_109 = tpu.memref_slice %arg3[%add3A_103] : memref<320000xi32, #tpu.memory_space<hbm>> -> memref<128xi32, #tpu.memory_space<hbm>>
        %dma_wait3A_110 = arith.constant 0 : i32
        %dma_wait3A_111 = tpu.memref_slice %arg6[%dma_wait3A, %dma_wait3A_110] : memref<2x128xi32, #tpu.memory_space<vmem>> -> memref<1x128xi32, #tpu.memory_space<vmem>>
        %dma_wait3A_112 = tpu.memref_squeeze %dma_wait3A_111 : memref<1x128xi32, #tpu.memory_space<vmem>> -> memref<128xi32, #tpu.memory_space<vmem>>
        %dma_wait3A_113 = tpu.memref_slice %arg3[%add3A_103] : memref<320000xi32, #tpu.memory_space<hbm>> -> memref<128xi32, #tpu.memory_space<hbm>>
        tpu.wait_dma2 semaphore(%arg10 : memref<!tpu.dma_semaphore, #tpu.memory_space<semaphore_mem>>) src(%dma_wait3A_113 : memref<128xi32, #tpu.memory_space<hbm>>) dst(%dma_wait3A_112 : memref<128xi32, #tpu.memory_space<vmem>>)
        %dma_wait3A_114 = arith.constant 1 : i32
        %dma_wait3A_115 = arith.constant 0 : i32
        %dma_wait3A_116 = arith.constant 0 : i32
        %dma_wait3A_117 = tpu.memref_slice %arg7[%dma_wait3A_114, %dma_wait3A_115, %dma_wait3A_116] : memref<2x128x128xf32, #tpu.memory_space<vmem>> -> memref<1x128x128xf32, #tpu.memory_space<vmem>>
        %dma_wait3A_118 = tpu.memref_squeeze %dma_wait3A_117 : memref<1x128x128xf32, #tpu.memory_space<vmem>> -> memref<128x128xf32, #tpu.memory_space<vmem>>
        %dma_wait3A_119 = arith.constant 0 : i32
        %dma_wait3A_120 = tpu.memref_slice %arg2[%mul3A_105, %dma_wait3A_119] : memref<160000x128xf32, #tpu.memory_space<hbm>> -> memref<128x128xf32, #tpu.memory_space<hbm>>
        %dma_wait3A_121 = arith.constant 0 : i32
        %dma_wait3A_122 = arith.constant 0 : i32
        %dma_wait3A_123 = tpu.memref_slice %arg7[%dma_wait3A_114, %dma_wait3A_121, %dma_wait3A_122] : memref<2x128x128xf32, #tpu.memory_space<vmem>> -> memref<1x128x128xf32, #tpu.memory_space<vmem>>
        %dma_wait3A_124 = tpu.memref_squeeze %dma_wait3A_123 : memref<1x128x128xf32, #tpu.memory_space<vmem>> -> memref<128x128xf32, #tpu.memory_space<vmem>>
        %dma_wait3A_125 = arith.constant 0 : i32
        %dma_wait3A_126 = tpu.memref_slice %arg2[%mul3A_105, %dma_wait3A_125] : memref<160000x128xf32, #tpu.memory_space<hbm>> -> memref<128x128xf32, #tpu.memory_space<hbm>>
        tpu.wait_dma2 semaphore(%arg12 : memref<!tpu.dma_semaphore, #tpu.memory_space<semaphore_mem>>) src(%dma_wait3A_126 : memref<128x128xf32, #tpu.memory_space<hbm>>) dst(%dma_wait3A_124 : memref<128x128xf32, #tpu.memory_space<vmem>>)
        %run_scoped3A = arith.constant 1 : i32
        %run_scoped3A_127 = arith.constant 1 : i32
        "tpu.region"() ({
          %run_scoped3A_134 = tpu.sem_alloc : memref<!tpu.dma_semaphore, #tpu.memory_space<semaphore_mem>>
          %dma_start3A_135 = arith.constant 0 : i32
          %dma_start3A_136 = arith.constant 0 : i32
          %dma_start3A_137 = tpu.memref_slice %arg7[%run_scoped3A, %dma_start3A_135, %dma_start3A_136] : memref<2x128x128xf32, #tpu.memory_space<vmem>> -> memref<1x128x128xf32, #tpu.memory_space<vmem>>
          %dma_start3A_138 = tpu.memref_squeeze %dma_start3A_137 : memref<1x128x128xf32, #tpu.memory_space<vmem>> -> memref<128x128xf32, #tpu.memory_space<vmem>>
          %dma_start3A_139 = arith.constant 0 : i32
          %dma_start3A_140 = tpu.memref_slice %arg6[%run_scoped3A_127, %dma_start3A_139] : memref<2x128xi32, #tpu.memory_space<vmem>> -> memref<1x128xi32, #tpu.memory_space<vmem>>
          %dma_start3A_141 = tpu.memref_squeeze %dma_start3A_140 : memref<1x128xi32, #tpu.memory_space<vmem>> -> memref<128xi32, #tpu.memory_space<vmem>>
          %dma_start3A_142 = arith.constant 0 : i32
          %dma_start3A_143 = arith.constant 0 : i32
          %dma_start3A_144 = tpu.memref_slice %arg8[%dma_start3A_142, %dma_start3A_143] : memref<10240x128xf32, #tpu.memory_space<vmem_shared>> -> memref<10240x128xf32, #tpu.memory_space<vmem_shared>>
          tpu.enqueue_indirect_dma source(%dma_start3A_138 : memref<128x128xf32, #tpu.memory_space<vmem>>) target(%dma_start3A_144 : memref<10240x128xf32, #tpu.memory_space<vmem_shared>>) offsets(%dma_start3A_141 : memref<128xi32, #tpu.memory_space<vmem>>) semaphore(%run_scoped3A_134 : memref<!tpu.dma_semaphore, #tpu.memory_space<semaphore_mem>>) {add = true}
          %dma_wait3A_145 = arith.constant 0 : i32
          %dma_wait3A_146 = arith.constant 0 : i32
          %dma_wait3A_147 = tpu.memref_slice %arg7[%run_scoped3A, %dma_wait3A_145, %dma_wait3A_146] : memref<2x128x128xf32, #tpu.memory_space<vmem>> -> memref<1x128x128xf32, #tpu.memory_space<vmem>>
          %dma_wait3A_148 = tpu.memref_squeeze %dma_wait3A_147 : memref<1x128x128xf32, #tpu.memory_space<vmem>> -> memref<128x128xf32, #tpu.memory_space<vmem>>
          %dma_wait3A_149 = arith.constant 0 : i32
          %dma_wait3A_150 = tpu.memref_slice %arg6[%run_scoped3A_127, %dma_wait3A_149] : memref<2x128xi32, #tpu.memory_space<vmem>> -> memref<1x128xi32, #tpu.memory_space<vmem>>
          %dma_wait3A_151 = tpu.memref_squeeze %dma_wait3A_150 : memref<1x128xi32, #tpu.memory_space<vmem>> -> memref<128xi32, #tpu.memory_space<vmem>>
          %dma_wait3A_152 = arith.constant 0 : i32
          %dma_wait3A_153 = arith.constant 0 : i32
          %dma_wait3A_154 = tpu.memref_slice %arg8[%dma_wait3A_152, %dma_wait3A_153] : memref<10240x128xf32, #tpu.memory_space<vmem_shared>> -> memref<10240x128xf32, #tpu.memory_space<vmem_shared>>
          tpu.wait_indirect_dma semaphore(%run_scoped3A_134 : memref<!tpu.dma_semaphore, #tpu.memory_space<semaphore_mem>>) src(%dma_wait3A_148 : memref<128x128xf32, #tpu.memory_space<vmem>>) dst(%dma_wait3A_154 : memref<10240x128xf32, #tpu.memory_space<vmem_shared>>)
          tpu.yield
        }) : () -> ()
        %add3A_128 = arith.constant 2 : i32
        %add3A_129 = arith.addi %add3A_94, %add3A_128 : i32
        %lt3A_130 = arith.cmpi slt, %add3A_129, %add3A_6 : i32
        %convert_element_type3A_131 = arith.extui %lt3A_130 : i1 to i32
        %cond3A_132 = arith.constant 0 : i32
        %cond3A_133 = arith.cmpi ne, %convert_element_type3A_131, %cond3A_132 : i32
        scf.if %cond3A_133 {
          %add3A_134 = arith.constant 2 : i32
          %add3A_135 = arith.addi %add3A_94, %add3A_134 : i32
          %add3A_136 = arith.addi %add3A_10, %add3A_135 : i32
          %mul3A_137 = arith.constant 128 : i32
          %mul3A_138 = arith.muli %add3A_136, %mul3A_137 : i32
          %add3A_139 = arith.constant 0 : i32
          %add3A_140 = arith.addi %add3A_139, %mul3A_138 : i32
          %mul3A_141 = arith.constant 128 : i32
          %mul3A_142 = arith.muli %add3A_136, %mul3A_141 : i32
          %dma_start3A_143 = arith.constant 1 : i32
          %dma_start3A_144 = arith.constant 0 : i32
          %dma_start3A_145 = tpu.memref_slice %arg6[%dma_start3A_143, %dma_start3A_144] : memref<2x128xi32, #tpu.memory_space<vmem>> -> memref<1x128xi32, #tpu.memory_space<vmem>>
          %dma_start3A_146 = tpu.memref_squeeze %dma_start3A_145 : memref<1x128xi32, #tpu.memory_space<vmem>> -> memref<128xi32, #tpu.memory_space<vmem>>
          %dma_start3A_147 = tpu.memref_slice %arg3[%add3A_140] : memref<320000xi32, #tpu.memory_space<hbm>> -> memref<128xi32, #tpu.memory_space<hbm>>
          %dma_start3A_148 = arith.constant 0 : i32
          %dma_start3A_149 = tpu.memref_slice %arg6[%dma_start3A_143, %dma_start3A_148] : memref<2x128xi32, #tpu.memory_space<vmem>> -> memref<1x128xi32, #tpu.memory_space<vmem>>
          %dma_start3A_150 = tpu.memref_squeeze %dma_start3A_149 : memref<1x128xi32, #tpu.memory_space<vmem>> -> memref<128xi32, #tpu.memory_space<vmem>>
          %dma_start3A_151 = tpu.memref_slice %arg3[%add3A_140] : memref<320000xi32, #tpu.memory_space<hbm>> -> memref<128xi32, #tpu.memory_space<hbm>>
          tpu.enqueue_dma source(%dma_start3A_151 : memref<128xi32, #tpu.memory_space<hbm>>) target(%dma_start3A_150 : memref<128xi32, #tpu.memory_space<vmem>>) target_semaphore(%arg10 : memref<!tpu.dma_semaphore, #tpu.memory_space<semaphore_mem>>)
          %dma_start3A_152 = arith.constant 1 : i32
          %dma_start3A_153 = arith.constant 0 : i32
          %dma_start3A_154 = arith.constant 0 : i32
          %dma_start3A_155 = tpu.memref_slice %arg7[%dma_start3A_152, %dma_start3A_153, %dma_start3A_154] : memref<2x128x128xf32, #tpu.memory_space<vmem>> -> memref<1x128x128xf32, #tpu.memory_space<vmem>>
          %dma_start3A_156 = tpu.memref_squeeze %dma_start3A_155 : memref<1x128x128xf32, #tpu.memory_space<vmem>> -> memref<128x128xf32, #tpu.memory_space<vmem>>
          %dma_start3A_157 = arith.constant 0 : i32
          %dma_start3A_158 = tpu.memref_slice %arg2[%mul3A_142, %dma_start3A_157] : memref<160000x128xf32, #tpu.memory_space<hbm>> -> memref<128x128xf32, #tpu.memory_space<hbm>>
          %dma_start3A_159 = arith.constant 0 : i32
          %dma_start3A_160 = arith.constant 0 : i32
          %dma_start3A_161 = tpu.memref_slice %arg7[%dma_start3A_152, %dma_start3A_159, %dma_start3A_160] : memref<2x128x128xf32, #tpu.memory_space<vmem>> -> memref<1x128x128xf32, #tpu.memory_space<vmem>>
          %dma_start3A_162 = tpu.memref_squeeze %dma_start3A_161 : memref<1x128x128xf32, #tpu.memory_space<vmem>> -> memref<128x128xf32, #tpu.memory_space<vmem>>
          %dma_start3A_163 = arith.constant 0 : i32
          %dma_start3A_164 = tpu.memref_slice %arg2[%mul3A_142, %dma_start3A_163] : memref<160000x128xf32, #tpu.memory_space<hbm>> -> memref<128x128xf32, #tpu.memory_space<hbm>>
          tpu.enqueue_dma source(%dma_start3A_164 : memref<128x128xf32, #tpu.memory_space<hbm>>) target(%dma_start3A_162 : memref<128x128xf32, #tpu.memory_space<vmem>>) target_semaphore(%arg12 : memref<!tpu.dma_semaphore, #tpu.memory_space<semaphore_mem>>)
        } else {
        }
      } else {
      }
    }
    %scan3A_74 = arith.constant 20 : i32
    %barrier3A_75 = arith.constant 0 : index
    tpu.barrier barrier_id(%barrier3A_75)
    %delay3A = arith.constant 2000 : i32
    tpu.delay %delay3A
    %barrier3A_76 = arith.constant 0 : index
    tpu.barrier barrier_id(%barrier3A_76)
    %mul3A_77 = arith.constant 640 : i32
    %mul3A_78 = arith.muli %arg1, %mul3A_77 : i32
    %mul3A_79 = arith.constant 10240 : i32
    %mul3A_80 = arith.muli %arg0, %mul3A_79 : i32
    %mul3A_81 = arith.constant 640 : i32
    %mul3A_82 = arith.muli %arg1, %mul3A_81 : i32
    %add3A_83 = arith.addi %mul3A_80, %mul3A_82 : i32
    "tpu.region"() ({
      %run_scoped3A = tpu.sem_alloc : memref<!tpu.dma_semaphore, #tpu.memory_space<semaphore_mem>>
      %dma_start3A_84 = arith.constant 0 : i32
      %dma_start3A_85 = tpu.memref_slice %arg5[%add3A_83, %dma_start3A_84] : memref<20480x128xf32, #tpu.memory_space<hbm>> -> memref<640x128xf32, #tpu.memory_space<hbm>>
      %dma_start3A_86 = arith.constant 0 : i32
      %dma_start3A_87 = tpu.memref_slice %arg8[%mul3A_78, %dma_start3A_86] : memref<10240x128xf32, #tpu.memory_space<vmem_shared>> -> memref<640x128xf32, #tpu.memory_space<vmem_shared>>
      tpu.enqueue_dma source(%dma_start3A_87 : memref<640x128xf32, #tpu.memory_space<vmem_shared>>) target(%dma_start3A_85 : memref<640x128xf32, #tpu.memory_space<hbm>>) target_semaphore(%run_scoped3A : memref<!tpu.dma_semaphore, #tpu.memory_space<semaphore_mem>>)
      %dma_wait3A = arith.constant 0 : i32
      %dma_wait3A_88 = tpu.memref_slice %arg5[%add3A_83, %dma_wait3A] : memref<20480x128xf32, #tpu.memory_space<hbm>> -> memref<640x128xf32, #tpu.memory_space<hbm>>
      %dma_wait3A_89 = arith.constant 0 : i32
      %dma_wait3A_90 = tpu.memref_slice %arg8[%mul3A_78, %dma_wait3A_89] : memref<10240x128xf32, #tpu.memory_space<vmem_shared>> -> memref<640x128xf32, #tpu.memory_space<vmem_shared>>
      tpu.wait_dma2 semaphore(%run_scoped3A : memref<!tpu.dma_semaphore, #tpu.memory_space<semaphore_mem>>) src(%dma_wait3A_90 : memref<640x128xf32, #tpu.memory_space<vmem_shared>>) dst(%dma_wait3A_88 : memref<640x128xf32, #tpu.memory_space<hbm>>)
      tpu.yield
    }) : () -> ()
    return
  }
}

#map = affine_map<(d0, d1) -> (0, 0)>
#map1 = affine_map<(d0, d1) -> (0)>
module attributes {stable_mosaic.version = 14 : i64} {
  func.func @k(%arg0: i32, %arg1: i32, %arg2: memref<160000x128xf32, #tpu.memory_space<hbm>>, %arg3: memref<320000xi32, #tpu.memory_space<hbm>>, %arg4: memref<640x128xf32, #tpu.memory_space<hbm>>, %arg5: memref<20480x128xf32, #tpu.memory_space<hbm>>, %arg6: memref<2x128xi32, #tpu.memory_space<vmem>>, %arg7: memref<2x128x128xf32, #tpu.memory_space<vmem>>, %arg8: memref<10240x128xf32, #tpu.memory_space<vmem_shared>>, %arg9: memref<!tpu.dma_semaphore, #tpu.memory_space<semaphore_mem>>, %arg10: memref<!tpu.dma_semaphore, #tpu.memory_space<semaphore_mem>>, %arg11: memref<!tpu.dma_semaphore, #tpu.memory_space<semaphore_mem>>, %arg12: memref<!tpu.dma_semaphore, #tpu.memory_space<semaphore_mem>>) attributes {dimension_semantics = [#tpu.dimension_semantics<core_parallel>, #tpu.dimension_semantics<subcore_parallel>], iteration_bounds = array<i64: 2, 16>, scalar_prefetch = 0 : i64, scratch_operands = 7 : i64, tpu.core_type = #tpu.core_type<sc_vector_subcore>, window_params = [{transform_indices = #map}, {transform_indices = #map1}, {transform_indices = #map}, {transform_indices = #map}]} {
    %mul3A = arith.constant 2 : i32
    %mul3A_0 = arith.muli %arg1, %mul3A : i32
    %add3A = arith.addi %mul3A_0, %arg0 : i32
    %mul3A_1 = arith.constant 640 : i32
    %mul3A_2 = arith.muli %arg1, %mul3A_1 : i32
    "tpu.region"() ({
      %run_scoped3A = tpu.sem_alloc : memref<!tpu.dma_semaphore, #tpu.memory_space<semaphore_mem>>
      %dma_start3A_84 = arith.constant 0 : i32
      %dma_start3A_85 = tpu.memref_slice %arg8[%mul3A_2, %dma_start3A_84] : memref<10240x128xf32, #tpu.memory_space<vmem_shared>> -> memref<640x128xf32, #tpu.memory_space<vmem_shared>>
      tpu.enqueue_dma source(%arg4 : memref<640x128xf32, #tpu.memory_space<hbm>>) target(%dma_start3A_85 : memref<640x128xf32, #tpu.memory_space<vmem_shared>>) target_semaphore(%run_scoped3A : memref<!tpu.dma_semaphore, #tpu.memory_space<semaphore_mem>>)
      %dma_wait3A = arith.constant 0 : i32
      %dma_wait3A_86 = tpu.memref_slice %arg8[%mul3A_2, %dma_wait3A] : memref<10240x128xf32, #tpu.memory_space<vmem_shared>> -> memref<640x128xf32, #tpu.memory_space<vmem_shared>>
      tpu.wait_dma2 semaphore(%run_scoped3A : memref<!tpu.dma_semaphore, #tpu.memory_space<semaphore_mem>>) src(%arg4 : memref<640x128xf32, #tpu.memory_space<hbm>>) dst(%dma_wait3A_86 : memref<640x128xf32, #tpu.memory_space<vmem_shared>>)
      tpu.yield
    }) : () -> ()
    %barrier3A = arith.constant 0 : index
    tpu.barrier barrier_id(%barrier3A)
    %lt3A = arith.constant 2 : i32
    %lt3A_3 = arith.cmpi slt, %add3A, %lt3A : i32
    %jit3A = arith.constant 1 : i32
    %jit3A_4 = arith.constant 0 : i32
    %select_n3A = arith.select %lt3A_3, %jit3A, %jit3A_4 : i32
    %add3A_5 = arith.constant 39 : i32
    %add3A_6 = arith.addi %add3A_5, %select_n3A : i32
    %mul3A_7 = arith.constant 39 : i32
    %mul3A_8 = arith.muli %add3A, %mul3A_7 : i32
    %min3A = arith.constant 2 : i32
    %min3A_9 = arith.minsi %add3A, %min3A : i32
    %add3A_10 = arith.addi %mul3A_8, %min3A_9 : i32
    %add3A_11 = arith.constant 0 : i32
    %add3A_12 = arith.addi %add3A_10, %add3A_11 : i32
    %mul3A_13 = arith.constant 128 : i32
    %mul3A_14 = arith.muli %add3A_12, %mul3A_13 : i32
    %add3A_15 = arith.constant 160000 : i32
    %add3A_16 = arith.addi %add3A_15, %mul3A_14 : i32
    %mul3A_17 = arith.constant 128 : i32
    %mul3A_18 = arith.muli %add3A_12, %mul3A_17 : i32
    %dma_start3A = arith.constant 0 : i32
    %dma_start3A_19 = arith.constant 0 : i32
    %dma_start3A_20 = tpu.memref_slice %arg6[%dma_start3A, %dma_start3A_19] : memref<2x128xi32, #tpu.memory_space<vmem>> -> memref<1x128xi32, #tpu.memory_space<vmem>>
    %dma_start3A_21 = tpu.memref_squeeze %dma_start3A_20 : memref<1x128xi32, #tpu.memory_space<vmem>> -> memref<128xi32, #tpu.memory_space<vmem>>
    %dma_start3A_22 = tpu.memref_slice %arg3[%add3A_16] : memref<320000xi32, #tpu.memory_space<hbm>> -> memref<128xi32, #tpu.memory_space<hbm>>
    %dma_start3A_23 = arith.constant 0 : i32
    %dma_start3A_24 = tpu.memref_slice %arg6[%dma_start3A, %dma_start3A_23] : memref<2x128xi32, #tpu.memory_space<vmem>> -> memref<1x128xi32, #tpu.memory_space<vmem>>
    %dma_start3A_25 = tpu.memref_squeeze %dma_start3A_24 : memref<1x128xi32, #tpu.memory_space<vmem>> -> memref<128xi32, #tpu.memory_space<vmem>>
    %dma_start3A_26 = tpu.memref_slice %arg3[%add3A_16] : memref<320000xi32, #tpu.memory_space<hbm>> -> memref<128xi32, #tpu.memory_space<hbm>>
    tpu.enqueue_dma source(%dma_start3A_26 : memref<128xi32, #tpu.memory_space<hbm>>) target(%dma_start3A_25 : memref<128xi32, #tpu.memory_space<vmem>>) target_semaphore(%arg9 : memref<!tpu.dma_semaphore, #tpu.memory_space<semaphore_mem>>)
    %dma_start3A_27 = arith.constant 0 : i32
    %dma_start3A_28 = arith.constant 0 : i32
    %dma_start3A_29 = arith.constant 0 : i32
    %dma_start3A_30 = tpu.memref_slice %arg7[%dma_start3A_27, %dma_start3A_28, %dma_start3A_29] : memref<2x128x128xf32, #tpu.memory_space<vmem>> -> memref<1x128x128xf32, #tpu.memory_space<vmem>>
    %dma_start3A_31 = tpu.memref_squeeze %dma_start3A_30 : memref<1x128x128xf32, #tpu.memory_space<vmem>> -> memref<128x128xf32, #tpu.memory_space<vmem>>
    %dma_start3A_32 = arith.constant 0 : i32
    %dma_start3A_33 = tpu.memref_slice %arg2[%mul3A_18, %dma_start3A_32] : memref<160000x128xf32, #tpu.memory_space<hbm>> -> memref<128x128xf32, #tpu.memory_space<hbm>>
    %dma_start3A_34 = arith.constant 0 : i32
    %dma_start3A_35 = arith.constant 0 : i32
    %dma_start3A_36 = tpu.memref_slice %arg7[%dma_start3A_27, %dma_start3A_34, %dma_start3A_35] : memref<2x128x128xf32, #tpu.memory_space<vmem>> -> memref<1x128x128xf32, #tpu.memory_space<vmem>>
    %dma_start3A_37 = tpu.memref_squeeze %dma_start3A_36 : memref<1x128x128xf32, #tpu.memory_space<vmem>> -> memref<128x128xf32, #tpu.memory_space<vmem>>
    %dma_start3A_38 = arith.constant 0 : i32
    %dma_start3A_39 = tpu.memref_slice %arg2[%mul3A_18, %dma_start3A_38] : memref<160000x128xf32, #tpu.memory_space<hbm>> -> memref<128x128xf32, #tpu.memory_space<hbm>>
    tpu.enqueue_dma source(%dma_start3A_39 : memref<128x128xf32, #tpu.memory_space<hbm>>) target(%dma_start3A_37 : memref<128x128xf32, #tpu.memory_space<vmem>>) target_semaphore(%arg11 : memref<!tpu.dma_semaphore, #tpu.memory_space<semaphore_mem>>)
    %add3A_40 = arith.constant 1 : i32
    %add3A_41 = arith.addi %add3A_10, %add3A_40 : i32
    %mul3A_42 = arith.constant 128 : i32
    %mul3A_43 = arith.muli %add3A_41, %mul3A_42 : i32
    %add3A_44 = arith.constant 160000 : i32
    %add3A_45 = arith.addi %add3A_44, %mul3A_43 : i32
    %mul3A_46 = arith.constant 128 : i32
    %mul3A_47 = arith.muli %add3A_41, %mul3A_46 : i32
    %dma_start3A_48 = arith.constant 1 : i32
    %dma_start3A_49 = arith.constant 0 : i32
    %dma_start3A_50 = tpu.memref_slice %arg6[%dma_start3A_48, %dma_start3A_49] : memref<2x128xi32, #tpu.memory_space<vmem>> -> memref<1x128xi32, #tpu.memory_space<vmem>>
    %dma_start3A_51 = tpu.memref_squeeze %dma_start3A_50 : memref<1x128xi32, #tpu.memory_space<vmem>> -> memref<128xi32, #tpu.memory_space<vmem>>
    %dma_start3A_52 = tpu.memref_slice %arg3[%add3A_45] : memref<320000xi32, #tpu.memory_space<hbm>> -> memref<128xi32, #tpu.memory_space<hbm>>
    %dma_start3A_53 = arith.constant 0 : i32
    %dma_start3A_54 = tpu.memref_slice %arg6[%dma_start3A_48, %dma_start3A_53] : memref<2x128xi32, #tpu.memory_space<vmem>> -> memref<1x128xi32, #tpu.memory_space<vmem>>
    %dma_start3A_55 = tpu.memref_squeeze %dma_start3A_54 : memref<1x128xi32, #tpu.memory_space<vmem>> -> memref<128xi32, #tpu.memory_space<vmem>>
    %dma_start3A_56 = tpu.memref_slice %arg3[%add3A_45] : memref<320000xi32, #tpu.memory_space<hbm>> -> memref<128xi32, #tpu.memory_space<hbm>>
    tpu.enqueue_dma source(%dma_start3A_56 : memref<128xi32, #tpu.memory_space<hbm>>) target(%dma_start3A_55 : memref<128xi32, #tpu.memory_space<vmem>>) target_semaphore(%arg10 : memref<!tpu.dma_semaphore, #tpu.memory_space<semaphore_mem>>)
    %dma_start3A_57 = arith.constant 1 : i32
    %dma_start3A_58 = arith.constant 0 : i32
    %dma_start3A_59 = arith.constant 0 : i32
    %dma_start3A_60 = tpu.memref_slice %arg7[%dma_start3A_57, %dma_start3A_58, %dma_start3A_59] : memref<2x128x128xf32, #tpu.memory_space<vmem>> -> memref<1x128x128xf32, #tpu.memory_space<vmem>>
    %dma_start3A_61 = tpu.memref_squeeze %dma_start3A_60 : memref<1x128x128xf32, #tpu.memory_space<vmem>> -> memref<128x128xf32, #tpu.memory_space<vmem>>
    %dma_start3A_62 = arith.constant 0 : i32
    %dma_start3A_63 = tpu.memref_slice %arg2[%mul3A_47, %dma_start3A_62] : memref<160000x128xf32, #tpu.memory_space<hbm>> -> memref<128x128xf32, #tpu.memory_space<hbm>>
    %dma_start3A_64 = arith.constant 0 : i32
    %dma_start3A_65 = arith.constant 0 : i32
    %dma_start3A_66 = tpu.memref_slice %arg7[%dma_start3A_57, %dma_start3A_64, %dma_start3A_65] : memref<2x128x128xf32, #tpu.memory_space<vmem>> -> memref<1x128x128xf32, #tpu.memory_space<vmem>>
    %dma_start3A_67 = tpu.memref_squeeze %dma_start3A_66 : memref<1x128x128xf32, #tpu.memory_space<vmem>> -> memref<128x128xf32, #tpu.memory_space<vmem>>
    %dma_start3A_68 = arith.constant 0 : i32
    %dma_start3A_69 = tpu.memref_slice %arg2[%mul3A_47, %dma_start3A_68] : memref<160000x128xf32, #tpu.memory_space<hbm>> -> memref<128x128xf32, #tpu.memory_space<hbm>>
    tpu.enqueue_dma source(%dma_start3A_69 : memref<128x128xf32, #tpu.memory_space<hbm>>) target(%dma_start3A_67 : memref<128x128xf32, #tpu.memory_space<vmem>>) target_semaphore(%arg12 : memref<!tpu.dma_semaphore, #tpu.memory_space<semaphore_mem>>)
    %scan3A = arith.constant 0 : i32
    %scan3A_70 = arith.constant 0 : i32
    %scan3A_71 = arith.constant 20 : i32
    %scan3A_72 = arith.addi %scan3A_70, %scan3A_71 : i32
    %scan3A_73 = arith.constant 1 : i32
    scf.for %scan3A_84 = %scan3A_70 to %scan3A_72 step %scan3A_73  : i32 {
      %mul3A_85 = arith.constant 2 : i32
      %mul3A_86 = arith.muli %mul3A_85, %scan3A_84 : i32
      %add3A_87 = arith.constant 0 : i32
      %add3A_88 = arith.addi %mul3A_86, %add3A_87 : i32
      %lt3A_89 = arith.cmpi slt, %add3A_88, %add3A_6 : i32
      %convert_element_type3A = arith.extui %lt3A_89 : i1 to i32
      %cond3A = arith.constant 0 : i32
      %cond3A_90 = arith.cmpi ne, %convert_element_type3A, %cond3A : i32
      scf.if %cond3A_90 {
        %add3A_99 = arith.addi %add3A_10, %add3A_88 : i32
        %mul3A_100 = arith.constant 128 : i32
        %mul3A_101 = arith.muli %add3A_99, %mul3A_100 : i32
        %add3A_102 = arith.constant 160000 : i32
        %add3A_103 = arith.addi %add3A_102, %mul3A_101 : i32
        %mul3A_104 = arith.constant 128 : i32
        %mul3A_105 = arith.muli %add3A_99, %mul3A_104 : i32
        %dma_wait3A = arith.constant 0 : i32
        %dma_wait3A_106 = arith.constant 0 : i32
        %dma_wait3A_107 = tpu.memref_slice %arg6[%dma_wait3A, %dma_wait3A_106] : memref<2x128xi32, #tpu.memory_space<vmem>> -> memref<1x128xi32, #tpu.memory_space<vmem>>
        %dma_wait3A_108 = tpu.memref_squeeze %dma_wait3A_107 : memref<1x128xi32, #tpu.memory_space<vmem>> -> memref<128xi32, #tpu.memory_space<vmem>>
        %dma_wait3A_109 = tpu.memref_slice %arg3[%add3A_103] : memref<320000xi32, #tpu.memory_space<hbm>> -> memref<128xi32, #tpu.memory_space<hbm>>
        %dma_wait3A_110 = arith.constant 0 : i32
        %dma_wait3A_111 = tpu.memref_slice %arg6[%dma_wait3A, %dma_wait3A_110] : memref<2x128xi32, #tpu.memory_space<vmem>> -> memref<1x128xi32, #tpu.memory_space<vmem>>
        %dma_wait3A_112 = tpu.memref_squeeze %dma_wait3A_111 : memref<1x128xi32, #tpu.memory_space<vmem>> -> memref<128xi32, #tpu.memory_space<vmem>>
        %dma_wait3A_113 = tpu.memref_slice %arg3[%add3A_103] : memref<320000xi32, #tpu.memory_space<hbm>> -> memref<128xi32, #tpu.memory_space<hbm>>
        tpu.wait_dma2 semaphore(%arg9 : memref<!tpu.dma_semaphore, #tpu.memory_space<semaphore_mem>>) src(%dma_wait3A_113 : memref<128xi32, #tpu.memory_space<hbm>>) dst(%dma_wait3A_112 : memref<128xi32, #tpu.memory_space<vmem>>)
        %dma_wait3A_114 = arith.constant 0 : i32
        %dma_wait3A_115 = arith.constant 0 : i32
        %dma_wait3A_116 = arith.constant 0 : i32
        %dma_wait3A_117 = tpu.memref_slice %arg7[%dma_wait3A_114, %dma_wait3A_115, %dma_wait3A_116] : memref<2x128x128xf32, #tpu.memory_space<vmem>> -> memref<1x128x128xf32, #tpu.memory_space<vmem>>
        %dma_wait3A_118 = tpu.memref_squeeze %dma_wait3A_117 : memref<1x128x128xf32, #tpu.memory_space<vmem>> -> memref<128x128xf32, #tpu.memory_space<vmem>>
        %dma_wait3A_119 = arith.constant 0 : i32
        %dma_wait3A_120 = tpu.memref_slice %arg2[%mul3A_105, %dma_wait3A_119] : memref<160000x128xf32, #tpu.memory_space<hbm>> -> memref<128x128xf32, #tpu.memory_space<hbm>>
        %dma_wait3A_121 = arith.constant 0 : i32
        %dma_wait3A_122 = arith.constant 0 : i32
        %dma_wait3A_123 = tpu.memref_slice %arg7[%dma_wait3A_114, %dma_wait3A_121, %dma_wait3A_122] : memref<2x128x128xf32, #tpu.memory_space<vmem>> -> memref<1x128x128xf32, #tpu.memory_space<vmem>>
        %dma_wait3A_124 = tpu.memref_squeeze %dma_wait3A_123 : memref<1x128x128xf32, #tpu.memory_space<vmem>> -> memref<128x128xf32, #tpu.memory_space<vmem>>
        %dma_wait3A_125 = arith.constant 0 : i32
        %dma_wait3A_126 = tpu.memref_slice %arg2[%mul3A_105, %dma_wait3A_125] : memref<160000x128xf32, #tpu.memory_space<hbm>> -> memref<128x128xf32, #tpu.memory_space<hbm>>
        tpu.wait_dma2 semaphore(%arg11 : memref<!tpu.dma_semaphore, #tpu.memory_space<semaphore_mem>>) src(%dma_wait3A_126 : memref<128x128xf32, #tpu.memory_space<hbm>>) dst(%dma_wait3A_124 : memref<128x128xf32, #tpu.memory_space<vmem>>)
        %run_scoped3A = arith.constant 0 : i32
        %run_scoped3A_127 = arith.constant 0 : i32
        "tpu.region"() ({
          %run_scoped3A_134 = tpu.sem_alloc : memref<!tpu.dma_semaphore, #tpu.memory_space<semaphore_mem>>
          %dma_start3A_135 = arith.constant 0 : i32
          %dma_start3A_136 = arith.constant 0 : i32
          %dma_start3A_137 = tpu.memref_slice %arg7[%run_scoped3A, %dma_start3A_135, %dma_start3A_136] : memref<2x128x128xf32, #tpu.memory_space<vmem>> -> memref<1x128x128xf32, #tpu.memory_space<vmem>>
          %dma_start3A_138 = tpu.memref_squeeze %dma_start3A_137 : memref<1x128x128xf32, #tpu.memory_space<vmem>> -> memref<128x128xf32, #tpu.memory_space<vmem>>
          %dma_start3A_139 = arith.constant 0 : i32
          %dma_start3A_140 = tpu.memref_slice %arg6[%run_scoped3A_127, %dma_start3A_139] : memref<2x128xi32, #tpu.memory_space<vmem>> -> memref<1x128xi32, #tpu.memory_space<vmem>>
          %dma_start3A_141 = tpu.memref_squeeze %dma_start3A_140 : memref<1x128xi32, #tpu.memory_space<vmem>> -> memref<128xi32, #tpu.memory_space<vmem>>
          %dma_start3A_142 = arith.constant 0 : i32
          %dma_start3A_143 = arith.constant 0 : i32
          %dma_start3A_144 = tpu.memref_slice %arg8[%dma_start3A_142, %dma_start3A_143] : memref<10240x128xf32, #tpu.memory_space<vmem_shared>> -> memref<10240x128xf32, #tpu.memory_space<vmem_shared>>
          tpu.enqueue_indirect_dma source(%dma_start3A_138 : memref<128x128xf32, #tpu.memory_space<vmem>>) target(%dma_start3A_144 : memref<10240x128xf32, #tpu.memory_space<vmem_shared>>) offsets(%dma_start3A_141 : memref<128xi32, #tpu.memory_space<vmem>>) semaphore(%run_scoped3A_134 : memref<!tpu.dma_semaphore, #tpu.memory_space<semaphore_mem>>) {add = true}
          %dma_wait3A_145 = arith.constant 0 : i32
          %dma_wait3A_146 = arith.constant 0 : i32
          %dma_wait3A_147 = tpu.memref_slice %arg7[%run_scoped3A, %dma_wait3A_145, %dma_wait3A_146] : memref<2x128x128xf32, #tpu.memory_space<vmem>> -> memref<1x128x128xf32, #tpu.memory_space<vmem>>
          %dma_wait3A_148 = tpu.memref_squeeze %dma_wait3A_147 : memref<1x128x128xf32, #tpu.memory_space<vmem>> -> memref<128x128xf32, #tpu.memory_space<vmem>>
          %dma_wait3A_149 = arith.constant 0 : i32
          %dma_wait3A_150 = tpu.memref_slice %arg6[%run_scoped3A_127, %dma_wait3A_149] : memref<2x128xi32, #tpu.memory_space<vmem>> -> memref<1x128xi32, #tpu.memory_space<vmem>>
          %dma_wait3A_151 = tpu.memref_squeeze %dma_wait3A_150 : memref<1x128xi32, #tpu.memory_space<vmem>> -> memref<128xi32, #tpu.memory_space<vmem>>
          %dma_wait3A_152 = arith.constant 0 : i32
          %dma_wait3A_153 = arith.constant 0 : i32
          %dma_wait3A_154 = tpu.memref_slice %arg8[%dma_wait3A_152, %dma_wait3A_153] : memref<10240x128xf32, #tpu.memory_space<vmem_shared>> -> memref<10240x128xf32, #tpu.memory_space<vmem_shared>>
          tpu.wait_indirect_dma semaphore(%run_scoped3A_134 : memref<!tpu.dma_semaphore, #tpu.memory_space<semaphore_mem>>) src(%dma_wait3A_148 : memref<128x128xf32, #tpu.memory_space<vmem>>) dst(%dma_wait3A_154 : memref<10240x128xf32, #tpu.memory_space<vmem_shared>>)
          tpu.yield
        }) : () -> ()
        %add3A_128 = arith.constant 2 : i32
        %add3A_129 = arith.addi %add3A_88, %add3A_128 : i32
        %lt3A_130 = arith.cmpi slt, %add3A_129, %add3A_6 : i32
        %convert_element_type3A_131 = arith.extui %lt3A_130 : i1 to i32
        %cond3A_132 = arith.constant 0 : i32
        %cond3A_133 = arith.cmpi ne, %convert_element_type3A_131, %cond3A_132 : i32
        scf.if %cond3A_133 {
          %add3A_134 = arith.constant 2 : i32
          %add3A_135 = arith.addi %add3A_88, %add3A_134 : i32
          %add3A_136 = arith.addi %add3A_10, %add3A_135 : i32
          %mul3A_137 = arith.constant 128 : i32
          %mul3A_138 = arith.muli %add3A_136, %mul3A_137 : i32
          %add3A_139 = arith.constant 160000 : i32
          %add3A_140 = arith.addi %add3A_139, %mul3A_138 : i32
          %mul3A_141 = arith.constant 128 : i32
          %mul3A_142 = arith.muli %add3A_136, %mul3A_141 : i32
          %dma_start3A_143 = arith.constant 0 : i32
          %dma_start3A_144 = arith.constant 0 : i32
          %dma_start3A_145 = tpu.memref_slice %arg6[%dma_start3A_143, %dma_start3A_144] : memref<2x128xi32, #tpu.memory_space<vmem>> -> memref<1x128xi32, #tpu.memory_space<vmem>>
          %dma_start3A_146 = tpu.memref_squeeze %dma_start3A_145 : memref<1x128xi32, #tpu.memory_space<vmem>> -> memref<128xi32, #tpu.memory_space<vmem>>
          %dma_start3A_147 = tpu.memref_slice %arg3[%add3A_140] : memref<320000xi32, #tpu.memory_space<hbm>> -> memref<128xi32, #tpu.memory_space<hbm>>
          %dma_start3A_148 = arith.constant 0 : i32
          %dma_start3A_149 = tpu.memref_slice %arg6[%dma_start3A_143, %dma_start3A_148] : memref<2x128xi32, #tpu.memory_space<vmem>> -> memref<1x128xi32, #tpu.memory_space<vmem>>
          %dma_start3A_150 = tpu.memref_squeeze %dma_start3A_149 : memref<1x128xi32, #tpu.memory_space<vmem>> -> memref<128xi32, #tpu.memory_space<vmem>>
          %dma_start3A_151 = tpu.memref_slice %arg3[%add3A_140] : memref<320000xi32, #tpu.memory_space<hbm>> -> memref<128xi32, #tpu.memory_space<hbm>>
          tpu.enqueue_dma source(%dma_start3A_151 : memref<128xi32, #tpu.memory_space<hbm>>) target(%dma_start3A_150 : memref<128xi32, #tpu.memory_space<vmem>>) target_semaphore(%arg9 : memref<!tpu.dma_semaphore, #tpu.memory_space<semaphore_mem>>)
          %dma_start3A_152 = arith.constant 0 : i32
          %dma_start3A_153 = arith.constant 0 : i32
          %dma_start3A_154 = arith.constant 0 : i32
          %dma_start3A_155 = tpu.memref_slice %arg7[%dma_start3A_152, %dma_start3A_153, %dma_start3A_154] : memref<2x128x128xf32, #tpu.memory_space<vmem>> -> memref<1x128x128xf32, #tpu.memory_space<vmem>>
          %dma_start3A_156 = tpu.memref_squeeze %dma_start3A_155 : memref<1x128x128xf32, #tpu.memory_space<vmem>> -> memref<128x128xf32, #tpu.memory_space<vmem>>
          %dma_start3A_157 = arith.constant 0 : i32
          %dma_start3A_158 = tpu.memref_slice %arg2[%mul3A_142, %dma_start3A_157] : memref<160000x128xf32, #tpu.memory_space<hbm>> -> memref<128x128xf32, #tpu.memory_space<hbm>>
          %dma_start3A_159 = arith.constant 0 : i32
          %dma_start3A_160 = arith.constant 0 : i32
          %dma_start3A_161 = tpu.memref_slice %arg7[%dma_start3A_152, %dma_start3A_159, %dma_start3A_160] : memref<2x128x128xf32, #tpu.memory_space<vmem>> -> memref<1x128x128xf32, #tpu.memory_space<vmem>>
          %dma_start3A_162 = tpu.memref_squeeze %dma_start3A_161 : memref<1x128x128xf32, #tpu.memory_space<vmem>> -> memref<128x128xf32, #tpu.memory_space<vmem>>
          %dma_start3A_163 = arith.constant 0 : i32
          %dma_start3A_164 = tpu.memref_slice %arg2[%mul3A_142, %dma_start3A_163] : memref<160000x128xf32, #tpu.memory_space<hbm>> -> memref<128x128xf32, #tpu.memory_space<hbm>>
          tpu.enqueue_dma source(%dma_start3A_164 : memref<128x128xf32, #tpu.memory_space<hbm>>) target(%dma_start3A_162 : memref<128x128xf32, #tpu.memory_space<vmem>>) target_semaphore(%arg11 : memref<!tpu.dma_semaphore, #tpu.memory_space<semaphore_mem>>)
        } else {
        }
      } else {
      }
      %mul3A_91 = arith.constant 2 : i32
      %mul3A_92 = arith.muli %mul3A_91, %scan3A_84 : i32
      %add3A_93 = arith.constant 1 : i32
      %add3A_94 = arith.addi %mul3A_92, %add3A_93 : i32
      %lt3A_95 = arith.cmpi slt, %add3A_94, %add3A_6 : i32
      %convert_element_type3A_96 = arith.extui %lt3A_95 : i1 to i32
      %cond3A_97 = arith.constant 0 : i32
      %cond3A_98 = arith.cmpi ne, %convert_element_type3A_96, %cond3A_97 : i32
      scf.if %cond3A_98 {
        %add3A_99 = arith.addi %add3A_10, %add3A_94 : i32
        %mul3A_100 = arith.constant 128 : i32
        %mul3A_101 = arith.muli %add3A_99, %mul3A_100 : i32
        %add3A_102 = arith.constant 160000 : i32
        %add3A_103 = arith.addi %add3A_102, %mul3A_101 : i32
        %mul3A_104 = arith.constant 128 : i32
        %mul3A_105 = arith.muli %add3A_99, %mul3A_104 : i32
        %dma_wait3A = arith.constant 1 : i32
        %dma_wait3A_106 = arith.constant 0 : i32
        %dma_wait3A_107 = tpu.memref_slice %arg6[%dma_wait3A, %dma_wait3A_106] : memref<2x128xi32, #tpu.memory_space<vmem>> -> memref<1x128xi32, #tpu.memory_space<vmem>>
        %dma_wait3A_108 = tpu.memref_squeeze %dma_wait3A_107 : memref<1x128xi32, #tpu.memory_space<vmem>> -> memref<128xi32, #tpu.memory_space<vmem>>
        %dma_wait3A_109 = tpu.memref_slice %arg3[%add3A_103] : memref<320000xi32, #tpu.memory_space<hbm>> -> memref<128xi32, #tpu.memory_space<hbm>>
        %dma_wait3A_110 = arith.constant 0 : i32
        %dma_wait3A_111 = tpu.memref_slice %arg6[%dma_wait3A, %dma_wait3A_110] : memref<2x128xi32, #tpu.memory_space<vmem>> -> memref<1x128xi32, #tpu.memory_space<vmem>>
        %dma_wait3A_112 = tpu.memref_squeeze %dma_wait3A_111 : memref<1x128xi32, #tpu.memory_space<vmem>> -> memref<128xi32, #tpu.memory_space<vmem>>
        %dma_wait3A_113 = tpu.memref_slice %arg3[%add3A_103] : memref<320000xi32, #tpu.memory_space<hbm>> -> memref<128xi32, #tpu.memory_space<hbm>>
        tpu.wait_dma2 semaphore(%arg10 : memref<!tpu.dma_semaphore, #tpu.memory_space<semaphore_mem>>) src(%dma_wait3A_113 : memref<128xi32, #tpu.memory_space<hbm>>) dst(%dma_wait3A_112 : memref<128xi32, #tpu.memory_space<vmem>>)
        %dma_wait3A_114 = arith.constant 1 : i32
        %dma_wait3A_115 = arith.constant 0 : i32
        %dma_wait3A_116 = arith.constant 0 : i32
        %dma_wait3A_117 = tpu.memref_slice %arg7[%dma_wait3A_114, %dma_wait3A_115, %dma_wait3A_116] : memref<2x128x128xf32, #tpu.memory_space<vmem>> -> memref<1x128x128xf32, #tpu.memory_space<vmem>>
        %dma_wait3A_118 = tpu.memref_squeeze %dma_wait3A_117 : memref<1x128x128xf32, #tpu.memory_space<vmem>> -> memref<128x128xf32, #tpu.memory_space<vmem>>
        %dma_wait3A_119 = arith.constant 0 : i32
        %dma_wait3A_120 = tpu.memref_slice %arg2[%mul3A_105, %dma_wait3A_119] : memref<160000x128xf32, #tpu.memory_space<hbm>> -> memref<128x128xf32, #tpu.memory_space<hbm>>
        %dma_wait3A_121 = arith.constant 0 : i32
        %dma_wait3A_122 = arith.constant 0 : i32
        %dma_wait3A_123 = tpu.memref_slice %arg7[%dma_wait3A_114, %dma_wait3A_121, %dma_wait3A_122] : memref<2x128x128xf32, #tpu.memory_space<vmem>> -> memref<1x128x128xf32, #tpu.memory_space<vmem>>
        %dma_wait3A_124 = tpu.memref_squeeze %dma_wait3A_123 : memref<1x128x128xf32, #tpu.memory_space<vmem>> -> memref<128x128xf32, #tpu.memory_space<vmem>>
        %dma_wait3A_125 = arith.constant 0 : i32
        %dma_wait3A_126 = tpu.memref_slice %arg2[%mul3A_105, %dma_wait3A_125] : memref<160000x128xf32, #tpu.memory_space<hbm>> -> memref<128x128xf32, #tpu.memory_space<hbm>>
        tpu.wait_dma2 semaphore(%arg12 : memref<!tpu.dma_semaphore, #tpu.memory_space<semaphore_mem>>) src(%dma_wait3A_126 : memref<128x128xf32, #tpu.memory_space<hbm>>) dst(%dma_wait3A_124 : memref<128x128xf32, #tpu.memory_space<vmem>>)
        %run_scoped3A = arith.constant 1 : i32
        %run_scoped3A_127 = arith.constant 1 : i32
        "tpu.region"() ({
          %run_scoped3A_134 = tpu.sem_alloc : memref<!tpu.dma_semaphore, #tpu.memory_space<semaphore_mem>>
          %dma_start3A_135 = arith.constant 0 : i32
          %dma_start3A_136 = arith.constant 0 : i32
          %dma_start3A_137 = tpu.memref_slice %arg7[%run_scoped3A, %dma_start3A_135, %dma_start3A_136] : memref<2x128x128xf32, #tpu.memory_space<vmem>> -> memref<1x128x128xf32, #tpu.memory_space<vmem>>
          %dma_start3A_138 = tpu.memref_squeeze %dma_start3A_137 : memref<1x128x128xf32, #tpu.memory_space<vmem>> -> memref<128x128xf32, #tpu.memory_space<vmem>>
          %dma_start3A_139 = arith.constant 0 : i32
          %dma_start3A_140 = tpu.memref_slice %arg6[%run_scoped3A_127, %dma_start3A_139] : memref<2x128xi32, #tpu.memory_space<vmem>> -> memref<1x128xi32, #tpu.memory_space<vmem>>
          %dma_start3A_141 = tpu.memref_squeeze %dma_start3A_140 : memref<1x128xi32, #tpu.memory_space<vmem>> -> memref<128xi32, #tpu.memory_space<vmem>>
          %dma_start3A_142 = arith.constant 0 : i32
          %dma_start3A_143 = arith.constant 0 : i32
          %dma_start3A_144 = tpu.memref_slice %arg8[%dma_start3A_142, %dma_start3A_143] : memref<10240x128xf32, #tpu.memory_space<vmem_shared>> -> memref<10240x128xf32, #tpu.memory_space<vmem_shared>>
          tpu.enqueue_indirect_dma source(%dma_start3A_138 : memref<128x128xf32, #tpu.memory_space<vmem>>) target(%dma_start3A_144 : memref<10240x128xf32, #tpu.memory_space<vmem_shared>>) offsets(%dma_start3A_141 : memref<128xi32, #tpu.memory_space<vmem>>) semaphore(%run_scoped3A_134 : memref<!tpu.dma_semaphore, #tpu.memory_space<semaphore_mem>>) {add = true}
          %dma_wait3A_145 = arith.constant 0 : i32
          %dma_wait3A_146 = arith.constant 0 : i32
          %dma_wait3A_147 = tpu.memref_slice %arg7[%run_scoped3A, %dma_wait3A_145, %dma_wait3A_146] : memref<2x128x128xf32, #tpu.memory_space<vmem>> -> memref<1x128x128xf32, #tpu.memory_space<vmem>>
          %dma_wait3A_148 = tpu.memref_squeeze %dma_wait3A_147 : memref<1x128x128xf32, #tpu.memory_space<vmem>> -> memref<128x128xf32, #tpu.memory_space<vmem>>
          %dma_wait3A_149 = arith.constant 0 : i32
          %dma_wait3A_150 = tpu.memref_slice %arg6[%run_scoped3A_127, %dma_wait3A_149] : memref<2x128xi32, #tpu.memory_space<vmem>> -> memref<1x128xi32, #tpu.memory_space<vmem>>
          %dma_wait3A_151 = tpu.memref_squeeze %dma_wait3A_150 : memref<1x128xi32, #tpu.memory_space<vmem>> -> memref<128xi32, #tpu.memory_space<vmem>>
          %dma_wait3A_152 = arith.constant 0 : i32
          %dma_wait3A_153 = arith.constant 0 : i32
          %dma_wait3A_154 = tpu.memref_slice %arg8[%dma_wait3A_152, %dma_wait3A_153] : memref<10240x128xf32, #tpu.memory_space<vmem_shared>> -> memref<10240x128xf32, #tpu.memory_space<vmem_shared>>
          tpu.wait_indirect_dma semaphore(%run_scoped3A_134 : memref<!tpu.dma_semaphore, #tpu.memory_space<semaphore_mem>>) src(%dma_wait3A_148 : memref<128x128xf32, #tpu.memory_space<vmem>>) dst(%dma_wait3A_154 : memref<10240x128xf32, #tpu.memory_space<vmem_shared>>)
          tpu.yield
        }) : () -> ()
        %add3A_128 = arith.constant 2 : i32
        %add3A_129 = arith.addi %add3A_94, %add3A_128 : i32
        %lt3A_130 = arith.cmpi slt, %add3A_129, %add3A_6 : i32
        %convert_element_type3A_131 = arith.extui %lt3A_130 : i1 to i32
        %cond3A_132 = arith.constant 0 : i32
        %cond3A_133 = arith.cmpi ne, %convert_element_type3A_131, %cond3A_132 : i32
        scf.if %cond3A_133 {
          %add3A_134 = arith.constant 2 : i32
          %add3A_135 = arith.addi %add3A_94, %add3A_134 : i32
          %add3A_136 = arith.addi %add3A_10, %add3A_135 : i32
          %mul3A_137 = arith.constant 128 : i32
          %mul3A_138 = arith.muli %add3A_136, %mul3A_137 : i32
          %add3A_139 = arith.constant 160000 : i32
          %add3A_140 = arith.addi %add3A_139, %mul3A_138 : i32
          %mul3A_141 = arith.constant 128 : i32
          %mul3A_142 = arith.muli %add3A_136, %mul3A_141 : i32
          %dma_start3A_143 = arith.constant 1 : i32
          %dma_start3A_144 = arith.constant 0 : i32
          %dma_start3A_145 = tpu.memref_slice %arg6[%dma_start3A_143, %dma_start3A_144] : memref<2x128xi32, #tpu.memory_space<vmem>> -> memref<1x128xi32, #tpu.memory_space<vmem>>
          %dma_start3A_146 = tpu.memref_squeeze %dma_start3A_145 : memref<1x128xi32, #tpu.memory_space<vmem>> -> memref<128xi32, #tpu.memory_space<vmem>>
          %dma_start3A_147 = tpu.memref_slice %arg3[%add3A_140] : memref<320000xi32, #tpu.memory_space<hbm>> -> memref<128xi32, #tpu.memory_space<hbm>>
          %dma_start3A_148 = arith.constant 0 : i32
          %dma_start3A_149 = tpu.memref_slice %arg6[%dma_start3A_143, %dma_start3A_148] : memref<2x128xi32, #tpu.memory_space<vmem>> -> memref<1x128xi32, #tpu.memory_space<vmem>>
          %dma_start3A_150 = tpu.memref_squeeze %dma_start3A_149 : memref<1x128xi32, #tpu.memory_space<vmem>> -> memref<128xi32, #tpu.memory_space<vmem>>
          %dma_start3A_151 = tpu.memref_slice %arg3[%add3A_140] : memref<320000xi32, #tpu.memory_space<hbm>> -> memref<128xi32, #tpu.memory_space<hbm>>
          tpu.enqueue_dma source(%dma_start3A_151 : memref<128xi32, #tpu.memory_space<hbm>>) target(%dma_start3A_150 : memref<128xi32, #tpu.memory_space<vmem>>) target_semaphore(%arg10 : memref<!tpu.dma_semaphore, #tpu.memory_space<semaphore_mem>>)
          %dma_start3A_152 = arith.constant 1 : i32
          %dma_start3A_153 = arith.constant 0 : i32
          %dma_start3A_154 = arith.constant 0 : i32
          %dma_start3A_155 = tpu.memref_slice %arg7[%dma_start3A_152, %dma_start3A_153, %dma_start3A_154] : memref<2x128x128xf32, #tpu.memory_space<vmem>> -> memref<1x128x128xf32, #tpu.memory_space<vmem>>
          %dma_start3A_156 = tpu.memref_squeeze %dma_start3A_155 : memref<1x128x128xf32, #tpu.memory_space<vmem>> -> memref<128x128xf32, #tpu.memory_space<vmem>>
          %dma_start3A_157 = arith.constant 0 : i32
          %dma_start3A_158 = tpu.memref_slice %arg2[%mul3A_142, %dma_start3A_157] : memref<160000x128xf32, #tpu.memory_space<hbm>> -> memref<128x128xf32, #tpu.memory_space<hbm>>
          %dma_start3A_159 = arith.constant 0 : i32
          %dma_start3A_160 = arith.constant 0 : i32
          %dma_start3A_161 = tpu.memref_slice %arg7[%dma_start3A_152, %dma_start3A_159, %dma_start3A_160] : memref<2x128x128xf32, #tpu.memory_space<vmem>> -> memref<1x128x128xf32, #tpu.memory_space<vmem>>
          %dma_start3A_162 = tpu.memref_squeeze %dma_start3A_161 : memref<1x128x128xf32, #tpu.memory_space<vmem>> -> memref<128x128xf32, #tpu.memory_space<vmem>>
          %dma_start3A_163 = arith.constant 0 : i32
          %dma_start3A_164 = tpu.memref_slice %arg2[%mul3A_142, %dma_start3A_163] : memref<160000x128xf32, #tpu.memory_space<hbm>> -> memref<128x128xf32, #tpu.memory_space<hbm>>
          tpu.enqueue_dma source(%dma_start3A_164 : memref<128x128xf32, #tpu.memory_space<hbm>>) target(%dma_start3A_162 : memref<128x128xf32, #tpu.memory_space<vmem>>) target_semaphore(%arg12 : memref<!tpu.dma_semaphore, #tpu.memory_space<semaphore_mem>>)
        } else {
        }
      } else {
      }
    }
    %scan3A_74 = arith.constant 20 : i32
    %barrier3A_75 = arith.constant 0 : index
    tpu.barrier barrier_id(%barrier3A_75)
    %delay3A = arith.constant 2000 : i32
    tpu.delay %delay3A
    %barrier3A_76 = arith.constant 0 : index
    tpu.barrier barrier_id(%barrier3A_76)
    %mul3A_77 = arith.constant 640 : i32
    %mul3A_78 = arith.muli %arg1, %mul3A_77 : i32
    %mul3A_79 = arith.constant 10240 : i32
    %mul3A_80 = arith.muli %arg0, %mul3A_79 : i32
    %mul3A_81 = arith.constant 640 : i32
    %mul3A_82 = arith.muli %arg1, %mul3A_81 : i32
    %add3A_83 = arith.addi %mul3A_80, %mul3A_82 : i32
    "tpu.region"() ({
      %run_scoped3A = tpu.sem_alloc : memref<!tpu.dma_semaphore, #tpu.memory_space<semaphore_mem>>
      %dma_start3A_84 = arith.constant 0 : i32
      %dma_start3A_85 = tpu.memref_slice %arg5[%add3A_83, %dma_start3A_84] : memref<20480x128xf32, #tpu.memory_space<hbm>> -> memref<640x128xf32, #tpu.memory_space<hbm>>
      %dma_start3A_86 = arith.constant 0 : i32
      %dma_start3A_87 = tpu.memref_slice %arg8[%mul3A_78, %dma_start3A_86] : memref<10240x128xf32, #tpu.memory_space<vmem_shared>> -> memref<640x128xf32, #tpu.memory_space<vmem_shared>>
      tpu.enqueue_dma source(%dma_start3A_87 : memref<640x128xf32, #tpu.memory_space<vmem_shared>>) target(%dma_start3A_85 : memref<640x128xf32, #tpu.memory_space<hbm>>) target_semaphore(%run_scoped3A : memref<!tpu.dma_semaphore, #tpu.memory_space<semaphore_mem>>)
      %dma_wait3A = arith.constant 0 : i32
      %dma_wait3A_88 = tpu.memref_slice %arg5[%add3A_83, %dma_wait3A] : memref<20480x128xf32, #tpu.memory_space<hbm>> -> memref<640x128xf32, #tpu.memory_space<hbm>>
      %dma_wait3A_89 = arith.constant 0 : i32
      %dma_wait3A_90 = tpu.memref_slice %arg8[%mul3A_78, %dma_wait3A_89] : memref<10240x128xf32, #tpu.memory_space<vmem_shared>> -> memref<640x128xf32, #tpu.memory_space<vmem_shared>>
      tpu.wait_dma2 semaphore(%run_scoped3A : memref<!tpu.dma_semaphore, #tpu.memory_space<semaphore_mem>>) src(%dma_wait3A_90 : memref<640x128xf32, #tpu.memory_space<vmem_shared>>) dst(%dma_wait3A_88 : memref<640x128xf32, #tpu.memory_space<hbm>>)
      tpu.yield
    }) : () -> ()
    return
  }
}

module attributes {stable_mosaic.version = 14 : i64} {
  func.func @_emb_body(%arg0: i32, %arg1: memref<6400x128xf32, #tpu.memory_space<vmem>>, %arg2: memref<6400x50xf32, #tpu.memory_space<vmem>>, %arg3: memref<128x128xf32, #tpu.memory_space<vmem>>, %arg4: memref<128x128xf32, #tpu.memory_space<vmem>>, %arg5: memref<6400x128xf32, #tpu.memory_space<vmem>>) attributes {dimension_semantics = [#tpu.dimension_semantics<arbitrary>], iteration_bounds = array<i64: 25>, scalar_prefetch = 0 : i64, scratch_operands = 0 : i64, tpu.core_type = #tpu.core_type<tc>, window_params = [{transform_indices = @transform_0, window_bounds = array<i64: 6400, 128>}, {pipeline_mode = #tpu.pipeline_mode<synchronous>, transform_indices = @transform_1, window_bounds = array<i64: 6400, 50>}, {pipeline_mode = #tpu.pipeline_mode<synchronous>, transform_indices = @transform_2, window_bounds = array<i64: 128, 128>}, {pipeline_mode = #tpu.pipeline_mode<synchronous>, transform_indices = @transform_3, window_bounds = array<i64: 128, 128>}, {transform_indices = @transform_4, window_bounds = array<i64: 6400, 128>}]} {
    %get3A = arith.constant 0 : index
    %get3A_0 = arith.constant 0 : index
    %get3A_1 = vector.load %arg1[%get3A, %get3A_0] : memref<6400x128xf32, #tpu.memory_space<vmem>>, vector<6400x128xf32>
    %get3A_2 = arith.constant 0 : index
    %get3A_3 = arith.constant 0 : index
    %get3A_4 = vector.load %arg3[%get3A_2, %get3A_3] : memref<128x128xf32, #tpu.memory_space<vmem>>, vector<128x128xf32>
    %dot_general3A = arith.constant dense<0.000000e+00> : vector<6400x128xf32>
    %dot_general3A_5 = tpu.matmul %get3A_1, %get3A_4, %dot_general3A {dimension_numbers = #tpu.dot_dimension_numbers<[1], [0], [0], [1], [0, 0, 1, 1], [], []>, transpose_lhs_hint = false} : vector<6400x128xf32>, vector<128x128xf32>, vector<6400x128xf32> -> vector<6400x128xf32>
    %max3A = arith.constant 0.000000e+00 : f32
    %max3A_6 = vector.broadcast %max3A : f32 to vector<6400x128xf32>
    %max3A_7 = arith.maximumf %dot_general3A_5, %max3A_6 : vector<6400x128xf32>
    %get3A_8 = arith.constant 0 : index
    %get3A_9 = arith.constant 0 : index
    %get3A_10 = vector.load %arg4[%get3A_8, %get3A_9] : memref<128x128xf32, #tpu.memory_space<vmem>>, vector<128x128xf32>
    %dot_general3A_11 = arith.constant dense<0.000000e+00> : vector<6400x128xf32>
    %dot_general3A_12 = tpu.matmul %max3A_7, %get3A_10, %dot_general3A_11 {dimension_numbers = #tpu.dot_dimension_numbers<[1], [0], [0], [1], [0, 0, 1, 1], [], []>, transpose_lhs_hint = false} : vector<6400x128xf32>, vector<128x128xf32>, vector<6400x128xf32> -> vector<6400x128xf32>
    %add3A = arith.constant 25 : i32
    %add3A_13 = arith.addi %arg0, %add3A : i32
    %iota3A = tpu.iota {dimensions = array<i32: 0>} : vector<50x128xi32>
    %eq3A = vector.broadcast %add3A_13 : i32 to vector<50x128xi32>
    %eq3A_14 = arith.cmpi eq, %iota3A, %eq3A : vector<50x128xi32>
    %get3A_15 = arith.constant 0 : index
    %get3A_16 = arith.constant 0 : index
    %get3A_17 = vector.load %arg2[%get3A_15, %get3A_16] : memref<6400x50xf32, #tpu.memory_space<vmem>>, vector<6400x50xf32>
    %convert_element_type3A = arith.extui %eq3A_14 : vector<50x128xi1> to vector<50x128xi32>
    %convert_element_type3A_18 = arith.sitofp %convert_element_type3A : vector<50x128xi32> to vector<50x128xf32>
    %dot_general3A_19 = arith.constant dense<0.000000e+00> : vector<6400x128xf32>
    %dot_general3A_20 = tpu.matmul %get3A_17, %convert_element_type3A_18, %dot_general3A_19 {dimension_numbers = #tpu.dot_dimension_numbers<[1], [0], [0], [1], [0, 0, 1, 1], [], []>, transpose_lhs_hint = false} : vector<6400x50xf32>, vector<50x128xf32>, vector<6400x128xf32> -> vector<6400x128xf32>
    %mul3A = arith.mulf %dot_general3A_12, %dot_general3A_20 : vector<6400x128xf32>
    %swap3A = arith.constant 0 : index
    %swap3A_21 = arith.constant 0 : index
    %swap3A_22 = vector.load %arg5[%swap3A, %swap3A_21] : memref<6400x128xf32, #tpu.memory_space<vmem>>, vector<6400x128xf32>
    tpu.vector_store %arg5[%swap3A, %swap3A_21], %mul3A {strides = array<i32>} : memref<6400x128xf32, #tpu.memory_space<vmem>>, vector<6400x128xf32>,
    return
  }
  func.func @transform_0(%arg0: i32) -> (i32, i32) {
    %add3A = arith.constant 25 : i32
    %add3A_0 = arith.addi %arg0, %add3A : i32
    %c0_i32 = arith.constant 0 : i32
    %c0_i32_1 = arith.constant 0 : i32
    return %add3A_0, %c0_i32 : i32, i32
  }
  func.func @transform_1(%arg0: i32) -> (i32, i32) {
    %c0_i32 = arith.constant 0 : i32
    %c0_i32_0 = arith.constant 0 : i32
    %c0_i32_1 = arith.constant 0 : i32
    return %c0_i32, %c0_i32_0 : i32, i32
  }
  func.func @transform_2(%arg0: i32) -> (i32, i32) {
    %c0_i32 = arith.constant 0 : i32
    %c0_i32_0 = arith.constant 0 : i32
    %c0_i32_1 = arith.constant 0 : i32
    return %c0_i32, %c0_i32_0 : i32, i32
  }
  func.func @transform_3(%arg0: i32) -> (i32, i32) {
    %c0_i32 = arith.constant 0 : i32
    %c0_i32_0 = arith.constant 0 : i32
    %c0_i32_1 = arith.constant 0 : i32
    return %c0_i32, %c0_i32_0 : i32, i32
  }
  func.func @transform_4(%arg0: i32) -> (i32, i32) {
    %c0_i32 = arith.constant 0 : i32
    %c0_i32_0 = arith.constant 0 : i32
    return %arg0, %c0_i32 : i32, i32
  }
}

module attributes {stable_mosaic.version = 14 : i64} {
  func.func @_emb_body(%arg0: i32, %arg1: memref<6400x128xf32, #tpu.memory_space<vmem>>, %arg2: memref<6400x50xf32, #tpu.memory_space<vmem>>, %arg3: memref<128x128xf32, #tpu.memory_space<vmem>>, %arg4: memref<128x128xf32, #tpu.memory_space<vmem>>, %arg5: memref<6400x128xf32, #tpu.memory_space<vmem>>) attributes {dimension_semantics = [#tpu.dimension_semantics<arbitrary>], iteration_bounds = array<i64: 25>, scalar_prefetch = 0 : i64, scratch_operands = 0 : i64, tpu.core_type = #tpu.core_type<tc>, window_params = [{transform_indices = @transform_0, window_bounds = array<i64: 6400, 128>}, {pipeline_mode = #tpu.pipeline_mode<synchronous>, transform_indices = @transform_1, window_bounds = array<i64: 6400, 50>}, {pipeline_mode = #tpu.pipeline_mode<synchronous>, transform_indices = @transform_2, window_bounds = array<i64: 128, 128>}, {pipeline_mode = #tpu.pipeline_mode<synchronous>, transform_indices = @transform_3, window_bounds = array<i64: 128, 128>}, {transform_indices = @transform_4, window_bounds = array<i64: 6400, 128>}]} {
    %get3A = arith.constant 0 : index
    %get3A_0 = arith.constant 0 : index
    %get3A_1 = vector.load %arg1[%get3A, %get3A_0] : memref<6400x128xf32, #tpu.memory_space<vmem>>, vector<6400x128xf32>
    %get3A_2 = arith.constant 0 : index
    %get3A_3 = arith.constant 0 : index
    %get3A_4 = vector.load %arg3[%get3A_2, %get3A_3] : memref<128x128xf32, #tpu.memory_space<vmem>>, vector<128x128xf32>
    %dot_general3A = arith.constant dense<0.000000e+00> : vector<6400x128xf32>
    %dot_general3A_5 = tpu.matmul %get3A_1, %get3A_4, %dot_general3A {dimension_numbers = #tpu.dot_dimension_numbers<[1], [0], [0], [1], [0, 0, 1, 1], [], []>, transpose_lhs_hint = false} : vector<6400x128xf32>, vector<128x128xf32>, vector<6400x128xf32> -> vector<6400x128xf32>
    %max3A = arith.constant 0.000000e+00 : f32
    %max3A_6 = vector.broadcast %max3A : f32 to vector<6400x128xf32>
    %max3A_7 = arith.maximumf %dot_general3A_5, %max3A_6 : vector<6400x128xf32>
    %get3A_8 = arith.constant 0 : index
    %get3A_9 = arith.constant 0 : index
    %get3A_10 = vector.load %arg4[%get3A_8, %get3A_9] : memref<128x128xf32, #tpu.memory_space<vmem>>, vector<128x128xf32>
    %dot_general3A_11 = arith.constant dense<0.000000e+00> : vector<6400x128xf32>
    %dot_general3A_12 = tpu.matmul %max3A_7, %get3A_10, %dot_general3A_11 {dimension_numbers = #tpu.dot_dimension_numbers<[1], [0], [0], [1], [0, 0, 1, 1], [], []>, transpose_lhs_hint = false} : vector<6400x128xf32>, vector<128x128xf32>, vector<6400x128xf32> -> vector<6400x128xf32>
    %add3A = arith.constant 0 : i32
    %add3A_13 = arith.addi %arg0, %add3A : i32
    %iota3A = tpu.iota {dimensions = array<i32: 0>} : vector<50x128xi32>
    %eq3A = vector.broadcast %add3A_13 : i32 to vector<50x128xi32>
    %eq3A_14 = arith.cmpi eq, %iota3A, %eq3A : vector<50x128xi32>
    %get3A_15 = arith.constant 0 : index
    %get3A_16 = arith.constant 0 : index
    %get3A_17 = vector.load %arg2[%get3A_15, %get3A_16] : memref<6400x50xf32, #tpu.memory_space<vmem>>, vector<6400x50xf32>
    %convert_element_type3A = arith.extui %eq3A_14 : vector<50x128xi1> to vector<50x128xi32>
    %convert_element_type3A_18 = arith.sitofp %convert_element_type3A : vector<50x128xi32> to vector<50x128xf32>
    %dot_general3A_19 = arith.constant dense<0.000000e+00> : vector<6400x128xf32>
    %dot_general3A_20 = tpu.matmul %get3A_17, %convert_element_type3A_18, %dot_general3A_19 {dimension_numbers = #tpu.dot_dimension_numbers<[1], [0], [0], [1], [0, 0, 1, 1], [], []>, transpose_lhs_hint = false} : vector<6400x50xf32>, vector<50x128xf32>, vector<6400x128xf32> -> vector<6400x128xf32>
    %mul3A = arith.mulf %dot_general3A_12, %dot_general3A_20 : vector<6400x128xf32>
    %swap3A = arith.constant 0 : index
    %swap3A_21 = arith.constant 0 : index
    %swap3A_22 = vector.load %arg5[%swap3A, %swap3A_21] : memref<6400x128xf32, #tpu.memory_space<vmem>>, vector<6400x128xf32>
    tpu.vector_store %arg5[%swap3A, %swap3A_21], %mul3A {strides = array<i32>} : memref<6400x128xf32, #tpu.memory_space<vmem>>, vector<6400x128xf32>,
    return
  }
  func.func @transform_0(%arg0: i32) -> (i32, i32) {
    %add3A = arith.constant 0 : i32
    %add3A_0 = arith.addi %arg0, %add3A : i32
    %c0_i32 = arith.constant 0 : i32
    %c0_i32_1 = arith.constant 0 : i32
    return %add3A_0, %c0_i32 : i32, i32
  }
  func.func @transform_1(%arg0: i32) -> (i32, i32) {
    %c0_i32 = arith.constant 0 : i32
    %c0_i32_0 = arith.constant 0 : i32
    %c0_i32_1 = arith.constant 0 : i32
    return %c0_i32, %c0_i32_0 : i32, i32
  }
  func.func @transform_2(%arg0: i32) -> (i32, i32) {
    %c0_i32 = arith.constant 0 : i32
    %c0_i32_0 = arith.constant 0 : i32
    %c0_i32_1 = arith.constant 0 : i32
    return %c0_i32, %c0_i32_0 : i32, i32
  }
  func.func @transform_3(%arg0: i32) -> (i32, i32) {
    %c0_i32 = arith.constant 0 : i32
    %c0_i32_0 = arith.constant 0 : i32
    %c0_i32_1 = arith.constant 0 : i32
    return %c0_i32, %c0_i32_0 : i32, i32
  }
  func.func @transform_4(%arg0: i32) -> (i32, i32) {
    %c0_i32 = arith.constant 0 : i32
    %c0_i32_0 = arith.constant 0 : i32
    return %arg0, %c0_i32 : i32, i32
  }
}

module attributes {stable_mosaic.version = 14 : i64} {
  func.func @_mlp_body(%arg0: memref<20480x128xf32, #tpu.memory_space<vmem>>, %arg1: memref<20480x128xf32, #tpu.memory_space<vmem>>, %arg2: memref<128x128xf32, #tpu.memory_space<vmem>>, %arg3: memref<128x64xf32, #tpu.memory_space<vmem>>, %arg4: memref<10000x64xf32, #tpu.memory_space<vmem>>) attributes {dimension_semantics = [], scalar_prefetch = 0 : i64, scratch_operands = 0 : i64, tpu.core_type = #tpu.core_type<tc>} {
    %get3A = arith.constant 0 : index
    %get3A_0 = arith.constant 0 : index
    %get3A_1 = vector.load %arg0[%get3A, %get3A_0] : memref<20480x128xf32, #tpu.memory_space<vmem>>, vector<10000x128xf32>
    %get3A_2 = arith.constant 10240 : index
    %get3A_3 = arith.constant 0 : index
    %get3A_4 = vector.load %arg0[%get3A_2, %get3A_3] : memref<20480x128xf32, #tpu.memory_space<vmem>>, vector<10000x128xf32>
    %add3A = arith.addf %get3A_1, %get3A_4 : vector<10000x128xf32>
    %get3A_5 = arith.constant 0 : index
    %get3A_6 = arith.constant 0 : index
    %get3A_7 = vector.load %arg1[%get3A_5, %get3A_6] : memref<20480x128xf32, #tpu.memory_space<vmem>>, vector<10000x128xf32>
    %add3A_8 = arith.addf %add3A, %get3A_7 : vector<10000x128xf32>
    %get3A_9 = arith.constant 10240 : index
    %get3A_10 = arith.constant 0 : index
    %get3A_11 = vector.load %arg1[%get3A_9, %get3A_10] : memref<20480x128xf32, #tpu.memory_space<vmem>>, vector<10000x128xf32>
    %add3A_12 = arith.addf %add3A_8, %get3A_11 : vector<10000x128xf32>
    %get3A_13 = arith.constant 0 : index
    %get3A_14 = arith.constant 0 : index
    %get3A_15 = vector.load %arg2[%get3A_13, %get3A_14] : memref<128x128xf32, #tpu.memory_space<vmem>>, vector<128x128xf32>
    %dot_general3A = arith.constant dense<0.000000e+00> : vector<10000x128xf32>
    %dot_general3A_16 = tpu.matmul %add3A_12, %get3A_15, %dot_general3A {dimension_numbers = #tpu.dot_dimension_numbers<[1], [0], [0], [1], [0, 0, 1, 1], [], []>, transpose_lhs_hint = false} : vector<10000x128xf32>, vector<128x128xf32>, vector<10000x128xf32> -> vector<10000x128xf32>
    %max3A = arith.constant 0.000000e+00 : f32
    %max3A_17 = vector.broadcast %max3A : f32 to vector<10000x128xf32>
    %max3A_18 = arith.maximumf %dot_general3A_16, %max3A_17 : vector<10000x128xf32>
    %get3A_19 = arith.constant 0 : index
    %get3A_20 = arith.constant 0 : index
    %get3A_21 = vector.load %arg3[%get3A_19, %get3A_20] : memref<128x64xf32, #tpu.memory_space<vmem>>, vector<128x64xf32>
    %dot_general3A_22 = arith.constant dense<0.000000e+00> : vector<10000x64xf32>
    %dot_general3A_23 = tpu.matmul %max3A_18, %get3A_21, %dot_general3A_22 {dimension_numbers = #tpu.dot_dimension_numbers<[1], [0], [0], [1], [0, 0, 1, 1], [], []>, transpose_lhs_hint = false} : vector<10000x128xf32>, vector<128x64xf32>, vector<10000x64xf32> -> vector<10000x64xf32>
    %swap3A = arith.constant 0 : index
    %swap3A_24 = arith.constant 0 : index
    %swap3A_25 = vector.load %arg4[%swap3A, %swap3A_24] : memref<10000x64xf32, #tpu.memory_space<vmem>>, vector<10000x64xf32>
    tpu.vector_store %arg4[%swap3A, %swap3A_24], %dot_general3A_23 {strides = array<i32>} : memref<10000x64xf32, #tpu.memory_space<vmem>>, vector<10000x64xf32>,
    return
  }
}

</mosaic_0001>

<sc_bundles>
// kernel: kernel.10.cloned.1.call-start
scs
__scs_entry_jumppad:
0x0: {  	(pc) =	sbr.rel $0x88, $3  }
0x1: {  	(tag) =	ssettag $0x0;
	lr =	simm.s32 $0x1  }
0x2: {  	[smem:$0x3F9A] =	sst lr;
	_ =	strace $0xD0000000  }
0x3: {  	_ = 	snop  }
0x4: {  	_ = 	snop  }
0x5: {  	_ = 	snop  }
0x6: {  	_ = 	snop  }
0x7: {  	_ = 	snop  }
__scs_overlays_trampoline_lowered:
0x8: {  	[smem:$0x3FA9] =	sst s0  }
0x9: {  	[smem:$0x3FAA] =	sst s1  }
0xa: {  	[smem:$0x3FAB] =	sst s2  }
0xb: {  	[smem:$0x3FAC] =	sst s3  }
0xc: {  	[smem:$0x3FAD] =	sst s4  }
0xd: {  	[smem:$0x3FAE] =	sst s5  }
0xe: {  	[smem:$0x3FAF] =	sst s6  }
0xf: {  	[smem:$0x3FB0] =	sst s7  }
0x10: {  	[smem:$0x3FB1] =	sst s8  }
0x11: {  	[smem:$0x3FB2] =	sst s9;
	s0 =	simm.s32 @!p0 $0x0  }
0x12: {  	s1 =	sld [smem:$0x3F98];
	s0 =	simm.s32 @p0 $0x1  }
0x13: {  	[smem:$0x3FB3] =	sst s0;
	s0 =	simm.s32 @!p1 $0x0  }
0x14: {  	s2 =	sld [smem:$0x3F97];
	s0 =	simm.s32 @p1 $0x1  }
0x15: {  	[smem:$0x3FB4] =	sst s0;
	s0 =	simm.s32 @!p2 $0x0  }
0x16: {  	s3 =	sld [smem:$0x3FDB];
	s0 =	simm.s32 @p2 $0x1  }
0x17: {  	s4 =	simm.s32 $0x1BF5;
	[smem:$0x3FB6] =	sst s0  }
0x18: {  	s0 =	sld [smem:$0x3F99];
	_ =	swait.ge [sflag:s4], $0x0  }
0x19: {  	s7 =	sld [smem:$0x3F9A]  }
0x1a: {  	s8 =	sadd.s32 $0xFFFFE003, lr  }
0x1b: {  	s9 =	sadd.s32 $0xFFFFFEF7, lr;
	s5 =	simm.s32 $0xFFFFFFFF;
	p2 =	slt.u32 s8, $0xFFFFF086  }
0x1c: {  	p1 =	slt.u32 s9, $0xF7A;
	s5 =	simm.s32 @!p2 $0x0  }
0x1d: {  	s5 =	simm.s32 @p1 $0x1;
	p0 =	seq.s32 s7, s2  }
0x1e: {  	s7 =	smul.u32 @!p0 $0xF7A, s2;
	p2 =	seq.s32 @!p0 s5, $0x0  }
0x1f: {  	s9 =	smul.u32 $0xF7A, s1;
	s8 =	simm.s32 @!p0 $0x1BF5;
	p2 =	por !p2, p0  }
0x20: {  	[sflag:s8] =	ssyncset.s32 @!p0 $0xFFFFF086;
	s6 =	sadd.s32 @!p0 s3, s7;
	s7 =	simm.s32 @!p0 $0x108  }
0x21: {  	s3 =	sadd.s32 s3, s9;
	s6 =	sadd.s32 @!p0 $0x88, s6;
	s7 =	simm.s32 @p2 $0x1082  }
0x22: {  	[simem:s7], [sflag:s8] =	dma.local @!p0 [hbm:s6], $0xF7A  }
0x23: {  	s9 =	sor.u32 $0xD0000000, s2;
	s6 =	simm.s32 $0x108;
	_ =	swait.ge @!p0 [sflag:s8], $0x0  }
0x24: {  	s3 =	sadd.s32 $0x88, s3;
	s6 =	simm.s32 @!p1 $0x1082;
	[sflag:s4] =	ssyncset.s32 $0xFFFFF086  }
0x25: {  	[simem:s6], [sflag:s4] =	dma.local [hbm:s3], $0xF7A  }
0x26: {  	[smem:$0x3F9A] =	sst s1;
	(tag) =	ssettag s2;
	_ =	strace s9  }
0x27: {  	s1 =	sld [smem:$0x3FAA]  }
0x28: {  	s2 =	sld [smem:$0x3FAB]  }
0x29: {  	s4 =	sld [smem:$0x3FAD]  }
0x2a: {  	p0 =	seq.s32 s5, $0x0;
	s5 =	sld [smem:$0x3FAE]  }
0x2b: {  	s6 =	sld [smem:$0x3FAF]  }
0x2c: {  	s7 =	sld [smem:$0x3FB0]  }
0x2d: {  	s3 =	simm.s32 $0x108;
	s8 =	sld [smem:$0x3FB1]  }
0x2e: {  	s3 =	simm.s32 @!p0 $0x1082;
	s9 =	sld [smem:$0x3FB2]  }
0x2f: {  	lr =	sadd.s32 s0, s3;
	s0 =	sld [smem:$0x3FA9]  }
0x30: {  	s3 =	sld [smem:$0x3FAC]  }
0x31: {  	[smem:$0x3FB5] =	sst s10  }
0x32: {  	s10 =	sld [smem:$0x3FB3];
	_ =	sdelay $0x3  }
0x33: {  	p0 =	seq.s32 s10, $0x1;
	s10 =	sld [smem:$0x3FB5];
	_ =	sdelay $0x3  }
0x34: {  	[smem:$0x3FB5] =	sst s10  }
0x35: {  	s10 =	sld [smem:$0x3FB4];
	_ =	sdelay $0x3  }
0x36: {  	p1 =	seq.s32 s10, $0x1;
	s10 =	sld [smem:$0x3FB5];
	_ =	sdelay $0x3  }
0x37: {  	[smem:$0x3FB5] =	sst s10  }
0x38: {  	s10 =	sld [smem:$0x3FB6]  }
0x39: {  	_ = 	snop;
	(pc) =	sbr.ind lr, $3  }
0x3a: {  	_ = 	snop  }
0x3b: {  	_ = 	snop  }
0x3c: {  	p2 =	seq.s32 s10, $0x1;
	s10 =	sld [smem:$0x3FB5]  }
0x3d: {  	_ =	shalt  }
0x3e: {  	_ =	shalt  }
0x3f: {  	_ =	shalt  }
0x40: {  	_ =	shalt  }
0x41: {  	_ =	shalt  }
0x42: {  	_ =	shalt  }
0x43: {  	_ =	shalt  }
0x44: {  	_ =	shalt  }
0x45: {  	_ =	shalt  }
0x46: {  	_ =	shalt  }
0x47: {  	_ =	shalt  }
0x48: {  	_ =	shalt  }
0x49: {  	_ =	shalt  }
0x4a: {  	_ =	shalt  }
0x4b: {  	_ =	shalt  }
0x4c: {  	_ =	shalt  }
0x4d: {  	_ =	shalt  }
0x4e: {  	_ =	shalt  }
0x4f: {  	_ =	shalt  }
0x50: {  	_ =	shalt  }
0x51: {  	_ =	shalt  }
0x52: {  	_ =	shalt  }
0x53: {  	_ =	shalt  }
0x54: {  	_ =	shalt  }
0x55: {  	_ =	shalt  }
0x56: {  	_ =	shalt  }
0x57: {  	_ =	shalt  }
0x58: {  	_ =	shalt  }
0x59: {  	_ =	shalt  }
0x5a: {  	_ =	shalt  }
0x5b: {  	_ =	shalt  }
0x5c: {  	_ =	shalt  }
0x5d: {  	_ =	shalt  }
0x5e: {  	_ =	shalt  }
0x5f: {  	_ =	shalt  }
0x60: {  	_ =	shalt  }
0x61: {  	_ =	shalt  }
0x62: {  	_ =	shalt  }
0x63: {  	_ =	shalt  }
0x64: {  	_ =	shalt  }
0x65: {  	_ =	shalt  }
0x66: {  	_ =	shalt  }
0x67: {  	_ =	shalt  }
0x68: {  	_ =	shalt  }
0x69: {  	_ =	shalt  }
0x6a: {  	_ =	shalt  }
0x6b: {  	_ =	shalt  }
0x6c: {  	_ =	shalt  }
0x6d: {  	_ =	shalt  }
0x6e: {  	_ =	shalt  }
0x6f: {  	_ =	shalt  }
0x70: {  	_ =	shalt  }
0x71: {  	_ =	shalt  }
0x72: {  	_ =	shalt  }
0x73: {  	_ =	shalt  }
0x74: {  	_ =	shalt  }
0x75: {  	_ =	shalt  }
0x76: {  	_ =	shalt  }
0x77: {  	_ =	shalt  }
0x78: {  	_ =	shalt  }
0x79: {  	_ =	shalt  }
0x7a: {  	_ =	shalt  }
0x7b: {  	_ =	shalt  }
0x7c: {  	_ =	shalt  }
0x7d: {  	_ =	shalt  }
0x7e: {  	_ =	shalt  }
0x7f: {  	_ =	shalt  }
0x80: {  	_ =	shalt  }
0x81: {  	_ =	shalt  }
0x82: {  	_ =	shalt  }
0x83: {  	_ =	shalt  }
0x84: {  	_ =	shalt  }
0x85: {  	_ =	shalt  }
0x86: {  	_ =	shalt  }
0x87: {  	_ =	shalt  }
.Lfunc_end0:
.L_simem_size_0:
called_computation.1_lowered:
.L_overlay_start_0:
0x88: {  	s2 =	sld [smem:$0x3FD9]  }
0x89: {  	s3 =	sld [smem:$0x3FFE];
	_ =	sdelay $0x1  }
0x8a: {  	s1 =	srdreg.scid  }
0x8b: {  	s0 =	sand.u32 $0x1, s1  }
0x8c: {  	s17 =	sshll.u32 s0, $0xA;
	s2 =	sadd.s32 s3, s2  }
0x8d: {  	s2 =	sadd.s32 s2, s17  }
0x8e: {  	[smem:$0x3FC1] =	sst s2  }
0x8f: {  	_ = 	snop  }
0x90: {  	s2 =	sld [smem:$0x3FC7]  }
0x91: {  	s18 =	sld [smem:$0x3FD0];
	(tm) =	ssettm $0x1  }
0x92: {  	s4 =	sld [smem:$0x3FFB];
	_ =	sdelay $0x3  }
0x93: {  	_ =	strace s4  }
0x94: {  	s4 =	sld [smem:$0x3FFC];
	_ =	sdelay $0x3  }
0x95: {  	_ =	strace s4  }
0x96: {  	s4 =	sld [smem:$0x3FFD];
	_ =	sdelay $0x3  }
0x97: {  	_ =	strace s4  }
0x98: {  	_ =	strace $0x8FFFFFFF  }
0x99: {  	s19 =	sld [smem:$0x3FDB];
	_ =	sdelay $0x1  }
0x9a: {  	s5 =	simm.s32 $_scs_section_size  }
0x9b: {  	s6 =	simm.s32 $_size__tile_overlayer_lowered;
	s7 =	simm.s32 $_tile_overlayer_lowered  }
0x9c: {  	s22 =	simm.s32 $0x1BFF;
	s21 =	sshll.u32 s7, $0x1;
	s4 =	sadd.s32 s5, s19  }
0x9d: {  	s8 =	simm.s32 $0x0;
	s20 =	sshll.u32 s6, $0x1;
	s6 =	sadd.s32 s21, s4  }
0x9e: {  	[timem:s8], [sflag:s22] =	dma.local [hbm:s6], s20  }
0x9f: {  	_ =	swait.ge [sflag:s22], s20  }
0xa0: {  	s5 =	ssub.s32 $0x0, s20;
	[sflag:s22] =	ssyncset.done $0x0  }
0xa1: {  	[sflag:s22] =	ssyncadd.s32 s5;
	_ =	sdelay $0x1  }
0xa2: {  	s23 =	simm.s32 $0x1B8B  }
0xa3: {  	_ =	swait.ge [sflag:s23], $0x1  }
0xa4: {  	[sflag:s23] =	ssyncset.done $0x0  }
0xa5: {  	s25 =	simm.s32 $0x1B8E;
	s24 =	sld [smem:$0x3FFE];
	[sflag:s23] =	ssyncadd.s32 $0xFFFFFFFF  }
0xa6: {  	s26 =	simm.s32 $execute0_lowered;
	[smem:$0x3FD2] =	sst s25  }
0xa7: {  	s6 =	sshll.u32 s26, $0x1;
	_ =	strace $0x80000046;
	[dreg:$0x1] =	wrdreg $0xFFFFFFFF  }
0xa8: {  	s28 =	simm.s32 $_size_execute0_lowered;
	s4 =	sadd.s32 s4, s6;
	[dreg:$0x0] =	wrdreg $0x0  }
0xa9: {  	s6 =	sshll.u32 s28, $0x1;
	[dreg:$0x2] =	wrdreg s4  }
0xaa: {  	[dreg:$0x3] =	wrdreg s6  }
0xab: {  	[dreg:$0x4] =	wrdreg $0xC0  }
0xac: {  	_ =	task [dreg:s8], $0x5FFFF  }
0xad: {  	[dreg:$0x1] =	wrdreg $0xFFFFFFFF  }
0xae: {  	[dreg:$0x0] =	wrdreg $0x60  }
0xaf: {  	[dreg:$0x2] =	wrdreg s24  }
0xb0: {  	[dreg:$0x3] =	wrdreg s2  }
0xb1: {  	[dreg:$0x4] =	wrdreg s18  }
0xb2: {  	[dreg:$0x5] =	wrdreg $0x81000  }
0xb3: {  	[dreg:$0x6] =	wrdreg $0xA  }
0xb4: {  	_ =	task.clear_ibuf [dreg:s8], $0x7FFFF;
	_ =	strace $0x90000046  }
0xb5: {  	s29 =	simm.s32 $0xA;
	_ =	strace $0x80000048  }
0xb6: {  	_ =	swait.ge [sflag:s29], $0x1  }
0xb7: {  	[sflag:s29] =	ssyncadd.s32 $0xFFFFFFFF  }
0xb8: {  	_ =	strace $0x90000048  }
0xb9: {  	_ =	sfence  }
0xba: {  	s30 =	sld [smem:$0x0];
	_ =	sdelay $0x2  }
0xbb: {  	s31 =	sshll.u32 s1, $0xD;
	s1 =	sshrl.u32 s1, $0x2  }
0xbc: {  	s3 =	sand.u32 $0x4000, s31;
	s1 =	sadd.s32 s1, s30  }
0xbd: {  	s0 =	sor.u32 s3, s0;
	s1 =	sshll.u32 s1, $0x11  }
0xbe: {  	s0 =	sor.u32 s1, s0  }
0xbf: {  	s0 =	sadd.s32 $0x8F2B, s0  }
0xc0: {  	[sflag:s0] =	ssyncadd.remote.s32 $0x1  }
0xc1: {  	_ =	sfence.sel $0xFFFF  }
0xc2: {  	[dreg:$0x0] =	wrdreg $0xFFFFFFFF;
	(pc) =	sbr.abs _section_cstart, $3  }
0xc3: {  	[dreg:$0x1] =	wrdreg $0xFFFFFFFF  }
0xc4: {  	_ =	task.clear_ibuf [dreg:s8], $0x2FFFF;
	_ =	strace $0x9FFFFFFF  }
0xc5: {  	(tm) =	ssettm $0x7FFFFFFF  }
tec
execute0_lowered:
.L_overlay_start_1:
0x0: {  	(tag) =	ssettag $0x1  }
0x1: {  	s0 =	rddreg [dreg:$0x0]  }
0x2: {  	s1 =	rddreg [dreg:$0x1];
	s11 =	stileid.u32  }
0x3: {  	s2 =	srdreg.scid;
	s5 =	smul.u32 $0x2800, s11  }
0x4: {  	s3 =	rddreg [dreg:$0x3];
	s8 =	smul.u32 $0x50000, s11  }
0x5: {  	s4 =	simm.s32 $0x0;
	s2 =	sand.u32 $0x1, s2;
	s12 =	smul.u32 $0x4E, s11  }
0x6: {  	[smem:$0x7FF] =	sst s4;
	s14 =	sadd.s32 $0x1200, s0;
	s18 =	smul.u32 $0x4E0, s11  }
0x7: {  	s7 =	sshll.u32 s11, $0x1;
	s25 =	sshll.u32 s11, $0x6;
	s6 =	smul.u32 $0x28000, s2  }
0x8: {  	p0 =	seq.s32 s11, $0x0;
	_ =	strace $0x80000047;
	s16 =	smul.u32 $0x27, s2  }
0x9: {  	s21 =	ssub.s32 $0x2, s2;
	s7 =	sor.u32 s2, s7;
	s2 =	smul.u32 $0x270, s2  }
0xa: {  	s22 =	sshrl.u32 s21, $0x1;
	s23 =	sshrl.u32 s8, $0x2;
	s24 =	smul.u32 $0x27, s7  }
0xb: {  	s15 =	smin.u32 s7, $0x2;
	s29 =	sadd.s32 s18, s1;
	s18 =	simm.s32 $0x5  }
0xc: {  	s5 =	sadd.s32 s5, s6;
	s13 =	ssub.s32 s21, s22;
	s17 =	sadd.s32 s23, s3  }
0xd: {  	s6 =	sor.u32 $0x1C05, s25;
	s16 =	sadd.s32 s16, s12;
	s31 =	sshll.u32 s15, $0x4  }
0xe: {  	s22 =	simm.s32 $0x0;
	s0 =	sadd.s32 s5, s0;
	s5 =	simm.s32 $0x28  }
0xf: {  	s7 =	sadd.s32 s15, s24;
	s30 =	sadd.s32 s15, s16;
	s13 =	smax.u32 s13, $0x1  }
0x10: {  	s17 =	sshrl.u32 s17, $0x3;
	s5 =	simm.s32 @!p0 $0x27;
	s26 =	sshll.u32 s7, $0x4  }
0x11: {  	s28 =	sshll.u32 s7, $0xB;
	s12 =	sadd.s32 $0x272200, s0;
	s0 =	sadd.s32 s2, s29  }
0x12: {  	s9 =	sadd.s32 s1, s26;
	s8 =	sadd.s32 s14, s28;
	s11 =	sadd.s32 $0xFFFFFFFF, s5  }
0x13: {  	s1 =	sshll.u32 s30, $0xB;
	s0 =	sadd.s32 s31, s0;
	s7 =	sadd.s32 $0x4E20, s9  }
0x14: {  	s9 =	sadd.s32 $0x4E30, s9;
	s10 =	sadd.s32 $0x800, s8;
	s1 =	sadd.s32 s1, s14  }
0x15: {  	s14 =	sadd.s32 $0x4E50, s0;
	s15 =	sadd.s32 $0x1800, s1;
	s16 =	sadd.s32 $0x1000, s1  }
.LBB2_1:
0x16: {  	s0 =	rddreg [dreg:$0x2]  }
0x17: {  	[spmem:s17], [sflag:s6] =	dma.local [hbm:s0], $0x2800  }
0x18: {  	_ =	swait.ge [sflag:s18], $0x2800  }
0x19: {  	[sflag:s18] =	ssyncset.done $0x0  }
0x1a: {  	[sflag:s18] =	ssyncadd.s32 $0xFFFFD800  }
0x1b: {  	[bflag:$0x0] =	sbarrier.arrive $0xFFFF  }
0x1c: {  	[tilespmem:s4], [sflag:$0x1] =	stream.linear.gather [hbm4b:s7+s4], $0x80, $0x38;
	[tilespmem:$0x1C100] =	vst v63  }
0x1d: {  	s24 =	simm.s32 $0x100  }
0x1e: {  	[tilespmem:s24], [sflag:$0x3] =	stream.linear.gather [hbm4b:s8+s4], $0x4000, $0x38;
	[tilespmem:$0x1C100] =	vst v63  }
0x1f: {  	s25 =	simm.s32 $0x80;
	p0 =	sle.u32 s5, $0x0  }
0x20: {  	[tilespmem:s25], [sflag:$0x2] =	stream.linear.gather [hbm4b:s9+s4], $0x80, $0x38;
	[tilespmem:$0x1C100] =	vst v63  }
0x21: {  	s26 =	simm.s32 $0x4100;
	s0 =	simm.s32 @!p0 $0x1  }
0x22: {  	[tilespmem:s26], [sflag:$0x4] =	stream.linear.gather [hbm4b:s10+s4], $0x4000, $0x38;
	[tilespmem:$0x1C100] =	vst v63  }
0x23: {  	_ =	swait.ge @!p0 [sflag:s0], $0x80  }
0x24: {  	[sflag:s0] =	ssyncset.done @!p0 $0x0  }
0x25: {  	s1 =	simm.s32 @!p0 $0x3;
	[sflag:s0] =	ssyncadd.s32 @!p0 $0xFFFFFF80  }
0x26: {  	_ =	swait.ge @!p0 [sflag:s1], $0x4000  }
0x27: {  	s2 =	simm.s32 @!p0 $0x5;
	s23 =	simm.s32 @!p0 $0x80;
	[sflag:s1] =	ssyncset.done @!p0 $0x0  }
0x28: {  	s24 =	simm.s32 @!p0 $0x0;
	s0 =	simm.s32 @!p0 $0x100;
	[sflag:s1] =	ssyncadd.s32 @!p0 $0xFFFFC000  }
0x29: {  	[spmem:s3] =	stream.indirect.scatter.add.f32 @!p0 [tilespmem:s0], [sflag:$0x5], $0x80, s24, s23, $0xb8;
	[tilespmem:$0x1C100] =	vst v63  }
0x2a: {  	p1 =	sle.u32 @!p0 s5, $0x2;
	_ =	swait.ge @!p0 [sflag:s2], $0x4000  }
0x2b: {  	p1 =	por p1, p0;
	[sflag:s2] =	ssyncset.done @!p0 $0x0  }
0x2c: {  	s1 =	simm.s32 @!p1 $0x0;
	s0 =	sadd.s32 @!p1 $0xFFFFFFF0, s14;
	[sflag:s2] =	ssyncadd.s32 @!p0 $0xFFFFC000  }
0x2d: {  	[tilespmem:s1], [sflag:$0x1] =	stream.linear.gather @!p1 [hbm4b:s0+s1], $0x80, $0x38;
	[tilespmem:$0x1C100] =	vst v63  }
0x2e: {  	p2 =	sle.u32 s11, $0x0;
	s0 =	simm.s32 @!p1 $0x100  }
0x2f: {  	[tilespmem:s0], [sflag:$0x3] =	stream.linear.gather @!p1 [hbm4b:s16+s1], $0x4000, $0x38;
	[tilespmem:$0x1C100] =	vst v63  }
0x30: {  	s0 =	simm.s32 @!p2 $0x2  }
0x31: {  	s28 =	simm.s32 $0x7;
	s31 =	smov.u32 s14;
	_ =	swait.ge @!p2 [sflag:s0], $0x80  }
0x32: {  	s30 =	smov.u32 s15;
	s29 =	simm.s32 @!p2 $0x4100;
	[sflag:s0] =	ssyncset.done @!p2 $0x0  }
0x33: {  	s25 =	sadd.s32 $0x20, s14;
	s1 =	simm.s32 @!p2 $0x4;
	[sflag:s0] =	ssyncadd.s32 @!p2 $0xFFFFFF80  }
0x34: {  	s26 =	sadd.s32 $0x1000, s16;
	s24 =	simm.s32 $0x5;
	_ =	swait.ge @!p2 [sflag:s1], $0x4000  }
0x35: {  	s23 =	sadd.s32 $0x1000, s15;
	s2 =	simm.s32 @!p2 $0x80;
	[sflag:s1] =	ssyncset.done @!p2 $0x0  }
0x36: {  	p0 =	sle.u32 @!p2 s5, $0x3;
	s0 =	simm.s32 @!p2 $0x5;
	[sflag:s1] =	ssyncadd.s32 @!p2 $0xFFFFC000  }
0x37: {  	[spmem:s3] =	stream.indirect.scatter.add.f32 @!p2 [tilespmem:s29], [sflag:$0x5], $0x80, s2, s2, $0xb8;
	[tilespmem:$0x1C100] =	vst v63  }
0x38: {  	p3 =	por p0, p2;
	p0 =	sle.u32 s5, $0x2;
	_ =	swait.ge @!p2 [sflag:s0], $0x4000  }
0x39: {  	s29 =	simm.s32 $0x2;
	s2 =	simm.s32 @!p3 $0x0;
	[sflag:s0] =	ssyncset.done @!p2 $0x0  }
.LBB2_2:
0x3a: {  	[sflag:s0] =	ssyncadd.s32 @!p2 $0xFFFFC000;
	s0 =	simm.s32 @!p3 $0x80  }
0x3b: {  	s19 =	simm.s32 @!p3 $0x4100;
	s1 =	smov.u32 s24;
	s24 =	smov.u32 s28  }
0x3c: {  	[tilespmem:s0], [sflag:$0x2] =	stream.linear.gather @!p3 [hbm4b:s31+s2], $0x80, $0x38;
	[tilespmem:$0x1C100] =	vst v63  }
0x3d: {  	s28 =	sadd.s32 $0x2, s28;
	s0 =	simm.s32 @!p0 $0x1;
	s31 =	smov.u32 s25  }
0x3e: {  	[tilespmem:s19], [sflag:$0x4] =	stream.linear.gather @!p3 [hbm4b:s30+s2], $0x4000, $0x38;
	[tilespmem:$0x1C100] =	vst v63  }
0x3f: {  	p1 =	sne.s32 s28, $0x2B;
	s30 =	smov.u32 s23;
	_ =	swait.ge @!p0 [sflag:s0], $0x80  }
0x40: {  	s2 =	simm.s32 @!p0 $0x3;
	[sflag:s0] =	ssyncset.done @!p0 $0x0  }
0x41: {  	[sflag:s0] =	ssyncadd.s32 @!p0 $0xFFFFFF80  }
0x42: {  	s19 =	simm.s32 @!p0 $0x5;
	s0 =	simm.s32 @!p0 $0x100;
	_ =	swait.ge @!p0 [sflag:s2], $0x4000  }
0x43: {  	s20 =	simm.s32 @!p0 $0x80;
	s21 =	simm.s32 @!p0 $0x0;
	[sflag:s2] =	ssyncset.done @!p0 $0x0  }
0x44: {  	[sflag:s2] =	ssyncadd.s32 @!p0 $0xFFFFC000;
	s2 =	sadd.s32 @!p0 $0xFFFFFFFF, s1  }
0x45: {  	[spmem:s3] =	stream.indirect.scatter.add.f32 @!p0 [tilespmem:s0], [sflag:$0x5], $0x80, s21, s20, $0xb8;
	[tilespmem:$0x1C100] =	vst v63  }
0x46: {  	p2 =	sge.u32 @!p0 s2, s5;
	_ =	swait.ge @!p0 [sflag:s19], $0x4000  }
0x47: {  	p3 =	por p2, p0;
	[sflag:s19] =	ssyncset.done @!p0 $0x0  }
0x48: {  	s0 =	sadd.s32 @!p3 $0xFFFFFFF0, s25;
	s2 =	simm.s32 @!p3 $0x0;
	[sflag:s19] =	ssyncadd.s32 @!p0 $0xFFFFC000  }
0x49: {  	[tilespmem:s2], [sflag:$0x1] =	stream.linear.gather @!p3 [hbm4b:s0+s2], $0x80, $0x38;
	[tilespmem:$0x1C100] =	vst v63  }
0x4a: {  	p2 =	sge.u32 s29, s11;
	s0 =	simm.s32 @!p3 $0x100  }
0x4b: {  	[tilespmem:s0], [sflag:$0x3] =	stream.linear.gather @!p3 [hbm4b:s26+s2], $0x4000, $0x38;
	[tilespmem:$0x1C100] =	vst v63  }
0x4c: {  	s0 =	simm.s32 @!p2 $0x2  }
0x4d: {  	_ =	swait.ge @!p2 [sflag:s0], $0x80  }
0x4e: {  	s2 =	simm.s32 @!p2 $0x4;
	[sflag:s0] =	ssyncset.done @!p2 $0x0  }
0x4f: {  	s23 =	sadd.s32 $0x1000, s23;
	s26 =	sadd.s32 $0x1000, s26;
	[sflag:s0] =	ssyncadd.s32 @!p2 $0xFFFFFF80  }
0x50: {  	s20 =	simm.s32 @!p2 $0x4100;
	s0 =	simm.s32 @!p2 $0x5;
	_ =	swait.ge @!p2 [sflag:s2], $0x4000  }
.Ltmp0:
0x51: {  	s19 =	simm.s32 @!p2 $0x80;
	[sflag:s2] =	ssyncset.done @!p2 $0x0;
	(pc) =	sbr.rel @p1 .LBB2_2-.Ltmp0, $4  }
0x52: {  	s25 =	sadd.s32 $0x20, s25;
	p0 =	sge.u32 @!p2 s1, s5;
	[sflag:s2] =	ssyncadd.s32 @!p2 $0xFFFFC000  }
0x53: {  	[spmem:s3] =	stream.indirect.scatter.add.f32 @!p2 [tilespmem:s20], [sflag:$0x5], $0x80, s19, s19, $0xb8;
	[tilespmem:$0x1C100] =	vst v63  }
0x54: {  	s29 =	sadd.s32 $0xFFFFFFFD, s24;
	p3 =	por p0, p2;
	_ =	swait.ge @!p2 [sflag:s0], $0x4000  }
0x55: {  	p0 =	sge.u32 s29, s5;
	s2 =	simm.s32 @!p3 $0x0;
	[sflag:s0] =	ssyncset.done @!p2 $0x0  }
0x56: {  	[sflag:s0] =	ssyncadd.s32 @!p2 $0xFFFFC000;
	s0 =	simm.s32 @!p3 $0x80  }
0x57: {  	[tilespmem:s0], [sflag:$0x2] =	stream.linear.gather @!p3 [hbm4b:s31+s2], $0x80, $0x38;
	[tilespmem:$0x1C100] =	vst v63  }
0x58: {  	s1 =	simm.s32 @!p0 $0x1;
	s0 =	simm.s32 @!p3 $0x4100  }
0x59: {  	[tilespmem:s0], [sflag:$0x4] =	stream.linear.gather @!p3 [hbm4b:s30+s2], $0x4000, $0x38;
	[tilespmem:$0x1C100] =	vst v63  }
0x5a: {  	_ =	swait.ge @!p0 [sflag:s1], $0x80  }
0x5b: {  	[sflag:s1] =	ssyncset.done @!p0 $0x0  }
0x5c: {  	s0 =	simm.s32 @!p0 $0x3;
	[sflag:s1] =	ssyncadd.s32 @!p0 $0xFFFFFF80  }
0x5d: {  	s19 =	simm.s32 @!p0 $0x80;
	_ =	swait.ge @!p0 [sflag:s0], $0x4000  }
0x5e: {  	s20 =	simm.s32 @!p0 $0x0;
	s2 =	simm.s32 @!p0 $0x5;
	[sflag:s0] =	ssyncset.done @!p0 $0x0  }
0x5f: {  	s1 =	simm.s32 @!p0 $0x100;
	[sflag:s0] =	ssyncadd.s32 @!p0 $0xFFFFC000;
	s0 =	sadd.s32 @!p0 $0xFFFFFFFF, s24  }
0x60: {  	[spmem:s3] =	stream.indirect.scatter.add.f32 @!p0 [tilespmem:s1], [sflag:$0x5], $0x80, s20, s19, $0xb8;
	[tilespmem:$0x1C100] =	vst v63  }
0x61: {  	p1 =	sge.u32 @!p0 s0, s5;
	_ =	swait.ge @!p0 [sflag:s2], $0x4000  }
0x62: {  	p1 =	por p1, p0;
	[sflag:s2] =	ssyncset.done @!p0 $0x0  }
0x63: {  	s0 =	sadd.s32 @!p1 $0xFFFFFFF0, s25;
	s1 =	simm.s32 @!p1 $0x0;
	[sflag:s2] =	ssyncadd.s32 @!p0 $0xFFFFC000  }
0x64: {  	[tilespmem:s1], [sflag:$0x1] =	stream.linear.gather @!p1 [hbm4b:s0+s1], $0x80, $0x38;
	[tilespmem:$0x1C100] =	vst v63  }
0x65: {  	p0 =	sge.u32 s29, s11;
	s0 =	simm.s32 @!p1 $0x100  }
0x66: {  	[tilespmem:s0], [sflag:$0x3] =	stream.linear.gather @!p1 [hbm4b:s26+s1], $0x4000, $0x38;
	[tilespmem:$0x1C100] =	vst v63  }
0x67: {  	s0 =	simm.s32 @!p0 $0x2  }
0x68: {  	_ =	swait.ge @!p0 [sflag:s0], $0x80  }
0x69: {  	[sflag:s0] =	ssyncset.done @!p0 $0x0  }
0x6a: {  	s1 =	simm.s32 @!p0 $0x4;
	[sflag:s0] =	ssyncadd.s32 @!p0 $0xFFFFFF80  }
0x6b: {  	_ =	swait.ge @!p0 [sflag:s1], $0x4000  }
0x6c: {  	s2 =	simm.s32 @!p0 $0x80;
	[sflag:s1] =	ssyncset.done @!p0 $0x0  }
0x6d: {  	s19 =	simm.s32 @!p0 $0x4100;
	s0 =	simm.s32 @!p0 $0x5;
	[sflag:s1] =	ssyncadd.s32 @!p0 $0xFFFFC000  }
0x6e: {  	[spmem:s3] =	stream.indirect.scatter.add.f32 @!p0 [tilespmem:s19], [sflag:$0x5], $0x80, s2, s2, $0xb8;
	[tilespmem:$0x1C100] =	vst v63  }
0x6f: {  	p1 =	sge.u32 @!p0 s24, s5;
	_ =	swait.ge @!p0 [sflag:s0], $0x4000  }
0x70: {  	p1 =	por p1, p0;
	[sflag:s0] =	ssyncset.done @!p0 $0x0  }
0x71: {  	s1 =	simm.s32 @!p1 $0x0;
	[sflag:s0] =	ssyncadd.s32 @!p0 $0xFFFFC000;
	s0 =	simm.s32 @!p1 $0x80  }
0x72: {  	[tilespmem:s0], [sflag:$0x2] =	stream.linear.gather @!p1 [hbm4b:s25+s1], $0x80, $0x38;
	[tilespmem:$0x1C100] =	vst v63  }
0x73: {  	s0 =	simm.s32 @!p1 $0x4100  }
0x74: {  	[tilespmem:s0], [sflag:$0x4] =	stream.linear.gather @!p1 [hbm4b:s23+s1], $0x4000, $0x38;
	[tilespmem:$0x1C100] =	vst v63  }
0x75: {  	[bflag:$0x0] =	sbarrier.arrive $0xFFFF  }
0x76: {  	_ =	sdelay $0x7ff  }
0x77: {  	s22 =	sadd.s32 $0x1, s22;
	_ =	sdelay $0x7ff  }
0x78: {  	p0 =	sne.s32 s22, s13;
	_ =	sdelay $0x5ad  }
.Ltmp1:
0x79: {  	[bflag:$0x0] =	sbarrier.arrive $0xFFFF;
	(pc) =	sbr.rel @p0 .LBB2_1-.Ltmp1, $4  }
0x7a: {  	[hbm:s12], [sflag:s6] =	dma.local [spmem:s17], $0x2800  }
0x7b: {  	_ =	swait.ge [sflag:s18], $0x2800  }
0x7c: {  	[sflag:s18] =	ssyncset.done $0x0  }
0x7d: {  	[sflag:s18] =	ssyncadd.s32 $0xFFFFD800  }
0x7e: {  	_ =	sfence.sel $0x180000  }
0x7f: {  	[bflag:$0x0] =	sbarrier.arrive $0xFFFF  }
0x80: {  	_ =	strace $0x90000047  }
0x81: {  	s0 =	stileid.u32;
	[bflag:$0x2] =	sbarrier.arrive $0xFFFF  }
0x82: {  	p0 =	sne.s32 s0, $0x0;
	s0 =	rddreg [dreg:$0x4]  }
0x83: {  	s0 =	sadd.s32 @!p0 $0x100000, s0  }
0x84: {  	[sflag:s0] =	ssyncadd.tile.s32 @!p0 $0x1;
	_ =	shalt  }
.Lfunc_end2:
_tile_overlayer_lowered:
.L_overlay_start_2:
0x85: {  	(tag) =	ssettag $0x2  }
0x86: {  	s0 =	rddreg [dreg:$0x0];
	s2 =	stileid.u32  }
0x87: {  	s1 =	rddreg [dreg:$0x1];
	p0 =	sne.s32 s2, $0x0  }
0x88: {  	s3 =	rddreg [dreg:$0x2];
	[bflag:$0x3] =	sbarrier.arrive $0xFFFF;
	s2 =	simm.s32 @!p0 $0x1C05  }
0x89: {  	[timem:s3], [sflag:s2] =	dma.local @!p0 [hbm:s0], s1  }
0x8a: {  	s0 =	simm.s32 @!p0 $0x5  }
0x8b: {  	_ =	swait.ge @!p0 [sflag:s0], s1  }
0x8c: {  	s1 =	ssub.s32 @!p0 $0x0, s1;
	[sflag:s0] =	ssyncset.done @!p0 $0x0  }
0x8d: {  	[sflag:s0] =	ssyncadd.s32 @!p0 s1  }
0x8e: {  	[bflag:$0x3] =	sbarrier.arrive $0xFFFF  }
0x8f: {  	_ =	shalt  }

// kernel: kernel.7.cloned.1.call-start
scs
__scs_entry_jumppad:
0x0: {  	(pc) =	sbr.rel $0x88, $3  }
0x1: {  	(tag) =	ssettag $0x0;
	lr =	simm.s32 $0x1  }
0x2: {  	[smem:$0x3F9A] =	sst lr;
	_ =	strace $0xD0000000  }
0x3: {  	_ = 	snop  }
0x4: {  	_ = 	snop  }
0x5: {  	_ = 	snop  }
0x6: {  	_ = 	snop  }
0x7: {  	_ = 	snop  }
__scs_overlays_trampoline_lowered:
0x8: {  	[smem:$0x3FA9] =	sst s0  }
0x9: {  	[smem:$0x3FAA] =	sst s1  }
0xa: {  	[smem:$0x3FAB] =	sst s2  }
0xb: {  	[smem:$0x3FAC] =	sst s3  }
0xc: {  	[smem:$0x3FAD] =	sst s4  }
0xd: {  	[smem:$0x3FAE] =	sst s5  }
0xe: {  	[smem:$0x3FAF] =	sst s6  }
0xf: {  	[smem:$0x3FB0] =	sst s7  }
0x10: {  	[smem:$0x3FB1] =	sst s8  }
0x11: {  	[smem:$0x3FB2] =	sst s9;
	s0 =	simm.s32 @!p0 $0x0  }
0x12: {  	s1 =	sld [smem:$0x3F98];
	s0 =	simm.s32 @p0 $0x1  }
0x13: {  	[smem:$0x3FB3] =	sst s0;
	s0 =	simm.s32 @!p1 $0x0  }
0x14: {  	s2 =	sld [smem:$0x3F97];
	s0 =	simm.s32 @p1 $0x1  }
0x15: {  	[smem:$0x3FB4] =	sst s0;
	s0 =	simm.s32 @!p2 $0x0  }
0x16: {  	s3 =	sld [smem:$0x3FDB];
	s0 =	simm.s32 @p2 $0x1  }
0x17: {  	s4 =	simm.s32 $0x1BF5;
	[smem:$0x3FB6] =	sst s0  }
0x18: {  	s0 =	sld [smem:$0x3F99];
	_ =	swait.ge [sflag:s4], $0x0  }
0x19: {  	s7 =	sld [smem:$0x3F9A]  }
0x1a: {  	s8 =	sadd.s32 $0xFFFFE003, lr  }
0x1b: {  	s9 =	sadd.s32 $0xFFFFFEF7, lr;
	s5 =	simm.s32 $0xFFFFFFFF;
	p2 =	slt.u32 s8, $0xFFFFF086  }
0x1c: {  	p1 =	slt.u32 s9, $0xF7A;
	s5 =	simm.s32 @!p2 $0x0  }
0x1d: {  	s5 =	simm.s32 @p1 $0x1;
	p0 =	seq.s32 s7, s2  }
0x1e: {  	s7 =	smul.u32 @!p0 $0xF7A, s2;
	p2 =	seq.s32 @!p0 s5, $0x0  }
0x1f: {  	s9 =	smul.u32 $0xF7A, s1;
	s8 =	simm.s32 @!p0 $0x1BF5;
	p2 =	por !p2, p0  }
0x20: {  	[sflag:s8] =	ssyncset.s32 @!p0 $0xFFFFF086;
	s6 =	sadd.s32 @!p0 s3, s7;
	s7 =	simm.s32 @!p0 $0x108  }
0x21: {  	s3 =	sadd.s32 s3, s9;
	s6 =	sadd.s32 @!p0 $0x88, s6;
	s7 =	simm.s32 @p2 $0x1082  }
0x22: {  	[simem:s7], [sflag:s8] =	dma.local @!p0 [hbm:s6], $0xF7A  }
0x23: {  	s9 =	sor.u32 $0xD0000000, s2;
	s6 =	simm.s32 $0x108;
	_ =	swait.ge @!p0 [sflag:s8], $0x0  }
0x24: {  	s3 =	sadd.s32 $0x88, s3;
	s6 =	simm.s32 @!p1 $0x1082;
	[sflag:s4] =	ssyncset.s32 $0xFFFFF086  }
0x25: {  	[simem:s6], [sflag:s4] =	dma.local [hbm:s3], $0xF7A  }
0x26: {  	[smem:$0x3F9A] =	sst s1;
	(tag) =	ssettag s2;
	_ =	strace s9  }
0x27: {  	s1 =	sld [smem:$0x3FAA]  }
0x28: {  	s2 =	sld [smem:$0x3FAB]  }
0x29: {  	s4 =	sld [smem:$0x3FAD]  }
0x2a: {  	p0 =	seq.s32 s5, $0x0;
	s5 =	sld [smem:$0x3FAE]  }
0x2b: {  	s6 =	sld [smem:$0x3FAF]  }
0x2c: {  	s7 =	sld [smem:$0x3FB0]  }
0x2d: {  	s3 =	simm.s32 $0x108;
	s8 =	sld [smem:$0x3FB1]  }
0x2e: {  	s3 =	simm.s32 @!p0 $0x1082;
	s9 =	sld [smem:$0x3FB2]  }
0x2f: {  	lr =	sadd.s32 s0, s3;
	s0 =	sld [smem:$0x3FA9]  }
0x30: {  	s3 =	sld [smem:$0x3FAC]  }
0x31: {  	[smem:$0x3FB5] =	sst s10  }
0x32: {  	s10 =	sld [smem:$0x3FB3];
	_ =	sdelay $0x3  }
0x33: {  	p0 =	seq.s32 s10, $0x1;
	s10 =	sld [smem:$0x3FB5];
	_ =	sdelay $0x3  }
0x34: {  	[smem:$0x3FB5] =	sst s10  }
0x35: {  	s10 =	sld [smem:$0x3FB4];
	_ =	sdelay $0x3  }
0x36: {  	p1 =	seq.s32 s10, $0x1;
	s10 =	sld [smem:$0x3FB5];
	_ =	sdelay $0x3  }
0x37: {  	[smem:$0x3FB5] =	sst s10  }
0x38: {  	s10 =	sld [smem:$0x3FB6]  }
0x39: {  	_ = 	snop;
	(pc) =	sbr.ind lr, $3  }
0x3a: {  	_ = 	snop  }
0x3b: {  	_ = 	snop  }
0x3c: {  	p2 =	seq.s32 s10, $0x1;
	s10 =	sld [smem:$0x3FB5]  }
0x3d: {  	_ =	shalt  }
0x3e: {  	_ =	shalt  }
0x3f: {  	_ =	shalt  }
0x40: {  	_ =	shalt  }
0x41: {  	_ =	shalt  }
0x42: {  	_ =	shalt  }
0x43: {  	_ =	shalt  }
0x44: {  	_ =	shalt  }
0x45: {  	_ =	shalt  }
0x46: {  	_ =	shalt  }
0x47: {  	_ =	shalt  }
0x48: {  	_ =	shalt  }
0x49: {  	_ =	shalt  }
0x4a: {  	_ =	shalt  }
0x4b: {  	_ =	shalt  }
0x4c: {  	_ =	shalt  }
0x4d: {  	_ =	shalt  }
0x4e: {  	_ =	shalt  }
0x4f: {  	_ =	shalt  }
0x50: {  	_ =	shalt  }
0x51: {  	_ =	shalt  }
0x52: {  	_ =	shalt  }
0x53: {  	_ =	shalt  }
0x54: {  	_ =	shalt  }
0x55: {  	_ =	shalt  }
0x56: {  	_ =	shalt  }
0x57: {  	_ =	shalt  }
0x58: {  	_ =	shalt  }
0x59: {  	_ =	shalt  }
0x5a: {  	_ =	shalt  }
0x5b: {  	_ =	shalt  }
0x5c: {  	_ =	shalt  }
0x5d: {  	_ =	shalt  }
0x5e: {  	_ =	shalt  }
0x5f: {  	_ =	shalt  }
0x60: {  	_ =	shalt  }
0x61: {  	_ =	shalt  }
0x62: {  	_ =	shalt  }
0x63: {  	_ =	shalt  }
0x64: {  	_ =	shalt  }
0x65: {  	_ =	shalt  }
0x66: {  	_ =	shalt  }
0x67: {  	_ =	shalt  }
0x68: {  	_ =	shalt  }
0x69: {  	_ =	shalt  }
0x6a: {  	_ =	shalt  }
0x6b: {  	_ =	shalt  }
0x6c: {  	_ =	shalt  }
0x6d: {  	_ =	shalt  }
0x6e: {  	_ =	shalt  }
0x6f: {  	_ =	shalt  }
0x70: {  	_ =	shalt  }
0x71: {  	_ =	shalt  }
0x72: {  	_ =	shalt  }
0x73: {  	_ =	shalt  }
0x74: {  	_ =	shalt  }
0x75: {  	_ =	shalt  }
0x76: {  	_ =	shalt  }
0x77: {  	_ =	shalt  }
0x78: {  	_ =	shalt  }
0x79: {  	_ =	shalt  }
0x7a: {  	_ =	shalt  }
0x7b: {  	_ =	shalt  }
0x7c: {  	_ =	shalt  }
0x7d: {  	_ =	shalt  }
0x7e: {  	_ =	shalt  }
0x7f: {  	_ =	shalt  }
0x80: {  	_ =	shalt  }
0x81: {  	_ =	shalt  }
0x82: {  	_ =	shalt  }
0x83: {  	_ =	shalt  }
0x84: {  	_ =	shalt  }
0x85: {  	_ =	shalt  }
0x86: {  	_ =	shalt  }
0x87: {  	_ =	shalt  }
.Lfunc_end0:
.L_simem_size_0:
called_computation_lowered:
.L_overlay_start_0:
0x88: {  	s2 =	sld [smem:$0x3FD9]  }
0x89: {  	s3 =	sld [smem:$0x3FFE];
	_ =	sdelay $0x1  }
0x8a: {  	s1 =	srdreg.scid  }
0x8b: {  	s0 =	sand.u32 $0x1, s1  }
0x8c: {  	s17 =	sshll.u32 s0, $0xA;
	s2 =	sadd.s32 s3, s2  }
0x8d: {  	s2 =	sadd.s32 s2, s17  }
0x8e: {  	[smem:$0x3FC1] =	sst s2  }
0x8f: {  	_ = 	snop  }
0x90: {  	s18 =	sld [smem:$0x3FC7]  }
0x91: {  	s4 =	sld [smem:$0x3FD0];
	(tm) =	ssettm $0x1  }
0x92: {  	s19 =	sld [smem:$0x3FFB];
	_ =	sdelay $0x3  }
0x93: {  	_ =	strace s19  }
0x94: {  	s2 =	sld [smem:$0x3FFC];
	_ =	sdelay $0x3  }
0x95: {  	_ =	strace s2  }
0x96: {  	s2 =	sld [smem:$0x3FFD];
	_ =	sdelay $0x3  }
0x97: {  	_ =	strace s2  }
0x98: {  	_ =	strace $0x8FFFFFFF  }
0x99: {  	s20 =	sld [smem:$0x3FDB];
	_ =	sdelay $0x1  }
0x9a: {  	s5 =	simm.s32 $_scs_section_size  }
0x9b: {  	s6 =	simm.s32 $_size__tile_overlayer_lowered;
	s7 =	simm.s32 $_tile_overlayer_lowered  }
0x9c: {  	s8 =	simm.s32 $0x1BFF;
	s21 =	sshll.u32 s7, $0x1;
	s5 =	sadd.s32 s5, s20  }
0x9d: {  	s22 =	simm.s32 $0x0;
	s6 =	sshll.u32 s6, $0x1;
	s7 =	sadd.s32 s21, s5  }
0x9e: {  	[timem:s22], [sflag:s8] =	dma.local [hbm:s7], s6  }
0x9f: {  	_ =	swait.ge [sflag:s8], s6  }
0xa0: {  	s6 =	ssub.s32 $0x0, s6;
	[sflag:s8] =	ssyncset.done $0x0  }
0xa1: {  	[sflag:s8] =	ssyncadd.s32 s6;
	_ =	sdelay $0x1  }
0xa2: {  	s23 =	simm.s32 $0x1B8B  }
0xa3: {  	_ =	swait.ge [sflag:s23], $0x1  }
0xa4: {  	[sflag:s23] =	ssyncset.done $0x0  }
0xa5: {  	[sflag:s23] =	ssyncadd.s32 $0xFFFFFFFF  }
0xa6: {  	s6 =	sld [smem:$0x0]  }
0xa7: {  	s7 =	sand.u32 $0xFFFFFFFE, s1  }
0xa8: {  	p0 =	sne.s32 s1, s7  }
0xa9: {  	s7 =	sshll.u32 @p0 s7, $0xE  }
0xaa: {  	s7 =	sadd.s32 @p0 $0x11B8D, s7;
	s8 =	sshll.u32 @p0 s6, $0x11  }
0xab: {  	s7 =	sor.u32 @p0 s8, s7  }
0xac: {  	[sflag:s7] =	ssyncadd.remote.s32 @p0 $0x1;
	_ =	sdelay $0x1  }
0xad: {  	s7 =	simm.s32 @p0 $0x1B8D  }
0xae: {  	_ =	swait.eq @p0 [sflag:s7], $0x1  }
0xaf: {  	[sflag:s7] =	ssyncadd.s32 @p0 $0xFFFFFFFF  }
0xb0: {  	s8 =	sshll.u32 @!p0 s1, $0xE  }
0xb1: {  	s8 =	sor.u32 @!p0 $0x4000, s8;
	s7 =	simm.s32 @!p0 $0x1B8D  }
0xb2: {  	s6 =	sshll.u32 @!p0 s6, $0x11;
	s8 =	sadd.s32 @!p0 $0x11B8D, s8;
	_ =	swait.eq @!p0 [sflag:s7], $0x1  }
0xb3: {  	s6 =	sor.u32 @!p0 s6, s8;
	[sflag:s7] =	ssyncadd.s32 @!p0 $0xFFFFFFFF  }
0xb4: {  	s25 =	simm.s32 $0x1B8E;
	s24 =	sld [smem:$0x3FFE];
	[sflag:s6] =	ssyncadd.remote.s32 @!p0 $0x1  }
0xb5: {  	s26 =	simm.s32 $execute0_lowered;
	[smem:$0x3FD2] =	sst s25  }
0xb6: {  	s7 =	sshll.u32 s26, $0x1;
	_ =	strace $0x80000049;
	[dreg:$0x1] =	wrdreg $0xFFFFFFFF  }
0xb7: {  	s28 =	simm.s32 $_size_execute0_lowered;
	s5 =	sadd.s32 s5, s7;
	[dreg:$0x0] =	wrdreg $0x0  }
0xb8: {  	s7 =	sshll.u32 s28, $0x1;
	[dreg:$0x2] =	wrdreg s5  }
0xb9: {  	[dreg:$0x3] =	wrdreg s7  }
0xba: {  	[dreg:$0x4] =	wrdreg $0xC0  }
0xbb: {  	_ =	task [dreg:s22], $0x5FFFF  }
0xbc: {  	[dreg:$0x1] =	wrdreg $0xFFFFFFFF  }
0xbd: {  	[dreg:$0x0] =	wrdreg $0x60  }
0xbe: {  	[dreg:$0x2] =	wrdreg s24  }
0xbf: {  	[dreg:$0x3] =	wrdreg s18  }
0xc0: {  	[dreg:$0x4] =	wrdreg s4  }
0xc1: {  	[dreg:$0x5] =	wrdreg $0x81000  }
0xc2: {  	[dreg:$0x6] =	wrdreg $0x9  }
0xc3: {  	_ =	task.clear_ibuf [dreg:s22], $0x7FFFF;
	_ =	strace $0x90000049  }
0xc4: {  	s29 =	simm.s32 $0x9;
	_ =	strace $0x8000004B  }
0xc5: {  	_ =	swait.ge [sflag:s29], $0x1  }
0xc6: {  	[sflag:s29] =	ssyncadd.s32 $0xFFFFFFFF  }
0xc7: {  	_ =	strace $0x9000004B  }
0xc8: {  	_ =	sfence  }
0xc9: {  	s30 =	sld [smem:$0x0];
	_ =	sdelay $0x2  }
0xca: {  	s31 =	sshll.u32 s1, $0xD;
	s1 =	sshrl.u32 s1, $0x2  }
0xcb: {  	s4 =	sand.u32 $0x4000, s31;
	s1 =	sadd.s32 s1, s30  }
0xcc: {  	s0 =	sor.u32 s4, s0;
	s1 =	sshll.u32 s1, $0x11  }
0xcd: {  	s0 =	sor.u32 s1, s0  }
0xce: {  	s0 =	sadd.s32 $0x8F2B, s0  }
0xcf: {  	[sflag:s0] =	ssyncadd.remote.s32 $0x1  }
0xd0: {  	_ =	sfence.sel $0xFFFF  }
0xd1: {  	[dreg:$0x0] =	wrdreg $0xFFFFFFFF;
	(pc) =	sbr.abs _section_cstart, $3  }
0xd2: {  	[dreg:$0x1] =	wrdreg $0xFFFFFFFF  }
0xd3: {  	_ =	task.clear_ibuf [dreg:s22], $0x2FFFF;
	_ =	strace $0x9FFFFFFF  }
0xd4: {  	(tm) =	ssettm $0x7FFFFFFF  }
0xd5: {  	_ =	shalt  }
tec
execute0_lowered:
.L_overlay_start_1:
0x0: {  	(tag) =	ssettag $0x1  }
0x1: {  	s0 =	rddreg [dreg:$0x0]  }
0x2: {  	s1 =	rddreg [dreg:$0x1]  }
0x3: {  	s3 =	rddreg [dreg:$0x3]  }
0x4: {  	s2 =	srdreg.scid;
	s11 =	stileid.u32;
	s4 =	simm.s32 $0x0  }
0x5: {  	s2 =	sand.u32 $0x1, s2;
	s5 =	smul.u32 $0x2800, s11;
	[smem:$0x7FF] =	sst s4  }
0x6: {  	s15 =	sadd.s32 $0x2C2200, s0;
	s7 =	smul.u32 $0x50000, s11;
	s8 =	sshll.u32 s11, $0x1  }
0x7: {  	s25 =	sshll.u32 s11, $0x6;
	p0 =	seq.s32 s11, $0x0;
	s11 =	smul.u32 $0x4E, s11  }
0x8: {  	s19 =	simm.s32 $0x5;
	s6 =	smul.u32 $0x28000, s2;
	_ =	strace $0x8000004A  }
0x9: {  	s22 =	ssub.s32 $0x2, s2;
	s8 =	sor.u32 s2, s8;
	s2 =	smul.u32 $0x27, s2  }
0xa: {  	s23 =	sshrl.u32 s22, $0x1;
	s24 =	sshrl.u32 s7, $0x2;
	s9 =	smul.u32 $0x27, s8  }
0xb: {  	s13 =	smin.u32 s8, $0x2;
	s7 =	sor.u32 $0x1C05, s25;
	s5 =	sadd.s32 s5, s6  }
0xc: {  	s14 =	ssub.s32 s22, s23;
	s6 =	simm.s32 $0x28;
	s2 =	sadd.s32 s2, s11  }
0xd: {  	s23 =	simm.s32 $0x0;
	s0 =	sadd.s32 s5, s0;
	s5 =	sadd.s32 s24, s3  }
0xe: {  	s6 =	simm.s32 @!p0 $0x27;
	s8 =	sadd.s32 s13, s9;
	s2 =	sadd.s32 s13, s2  }
0xf: {  	s14 =	smax.u32 s14, $0x1;
	[dreg:$0x5] =	wrdreg s5;
	s9 =	sshll.u32 s8, $0x4  }
0x10: {  	s10 =	sshll.u32 s8, $0x7;
	s12 =	sshll.u32 s8, $0xB;
	s13 =	sadd.s32 $0x533200, s0  }
0x11: {  	s30 =	sshll.u32 s2, $0xB;
	s2 =	sshll.u32 s2, $0x4;
	s16 =	sadd.s32 $0x80, s10  }
0x12: {  	s26 =	sadd.s32 s1, s9;
	s28 =	sadd.s32 s15, s12;
	s12 =	sadd.s32 $0xFFFFFFFF, s6  }
0x13: {  	s0 =	sadd.s32 s30, s15;
	s31 =	sadd.s32 s2, s1;
	[dreg:$0x6] =	wrdreg s26  }
0x14: {  	[dreg:$0x7] =	wrdreg s28;
	s10 =	sshrl.u32 s16, $0x3;
	s29 =	sshll.u32 s16, $0x4  }
0x15: {  	s2 =	sadd.s32 $0x1800, s0;
	s17 =	sadd.s32 $0x1000, s0;
	s18 =	sadd.s32 $0x20, s31  }
0x16: {  	s10 =	sadd.s32 s1, s10;
	s11 =	sadd.s32 s15, s29;
	s1 =	sadd.s32 $0x30, s31  }
.LBB2_1:
0x17: {  	s0 =	rddreg [dreg:$0x5]  }
0x18: {  	s20 =	rddreg [dreg:$0x2];
	s24 =	sshrl.u32 s0, $0x3  }
0x19: {  	[spmem:s24], [sflag:s7] =	dma.local [hbm:s20], $0x2800  }
0x1a: {  	_ =	swait.ge [sflag:s19], $0x2800  }
0x1b: {  	[sflag:s19] =	ssyncset.done $0x0  }
0x1c: {  	[sflag:s19] =	ssyncadd.s32 $0xFFFFD800  }
0x1d: {  	[bflag:$0x0] =	sbarrier.arrive $0xFFFF  }
0x1e: {  	s21 =	rddreg [dreg:$0x6]  }
0x1f: {  	[tilespmem:s4], [sflag:$0x1] =	stream.linear.gather [hbm4b:s21+s4], $0x80, $0x38;
	[tilespmem:$0x1C100] =	vst v63  }
0x20: {  	s5 =	simm.s32 $0x100;
	s22 =	rddreg [dreg:$0x7]  }
0x21: {  	[tilespmem:s5], [sflag:$0x3] =	stream.linear.gather [hbm4b:s22+s4], $0x4000, $0x38;
	[tilespmem:$0x1C100] =	vst v63  }
0x22: {  	s25 =	simm.s32 $0x80;
	p0 =	sle.u32 s6, $0x0  }
0x23: {  	[tilespmem:s25], [sflag:$0x2] =	stream.linear.gather [hbm4b:s10+s4], $0x80, $0x38;
	[tilespmem:$0x1C100] =	vst v63  }
0x24: {  	s26 =	simm.s32 $0x4100;
	s0 =	simm.s32 @!p0 $0x1  }
0x25: {  	[tilespmem:s26], [sflag:$0x4] =	stream.linear.gather [hbm4b:s11+s4], $0x4000, $0x38;
	[tilespmem:$0x1C100] =	vst v63  }
0x26: {  	_ =	swait.ge @!p0 [sflag:s0], $0x80  }
0x27: {  	[sflag:s0] =	ssyncset.done @!p0 $0x0  }
0x28: {  	s15 =	simm.s32 @!p0 $0x3;
	[sflag:s0] =	ssyncadd.s32 @!p0 $0xFFFFFF80  }
0x29: {  	_ =	swait.ge @!p0 [sflag:s15], $0x4000  }
0x2a: {  	s16 =	simm.s32 @!p0 $0x5;
	s20 =	simm.s32 @!p0 $0x80;
	[sflag:s15] =	ssyncset.done @!p0 $0x0  }
0x2b: {  	s21 =	simm.s32 @!p0 $0x0;
	s0 =	simm.s32 @!p0 $0x100;
	[sflag:s15] =	ssyncadd.s32 @!p0 $0xFFFFC000  }
0x2c: {  	[spmem:s3] =	stream.indirect.scatter.add.f32 @!p0 [tilespmem:s0], [sflag:$0x5], $0x80, s21, s20, $0xb8;
	[tilespmem:$0x1C100] =	vst v63  }
0x2d: {  	p1 =	sle.u32 @!p0 s6, $0x2;
	_ =	swait.ge @!p0 [sflag:s16], $0x4000  }
0x2e: {  	p1 =	por p1, p0;
	[sflag:s16] =	ssyncset.done @!p0 $0x0  }
0x2f: {  	s0 =	simm.s32 @!p1 $0x0;
	[sflag:s16] =	ssyncadd.s32 @!p0 $0xFFFFC000  }
0x30: {  	[tilespmem:s0], [sflag:$0x1] =	stream.linear.gather @!p1 [hbm4b:s18+s0], $0x80, $0x38;
	[tilespmem:$0x1C100] =	vst v63  }
0x31: {  	p2 =	sle.u32 s12, $0x0;
	s15 =	simm.s32 @!p1 $0x100  }
0x32: {  	[tilespmem:s15], [sflag:$0x3] =	stream.linear.gather @!p1 [hbm4b:s17+s0], $0x4000, $0x38;
	[tilespmem:$0x1C100] =	vst v63  }
0x33: {  	s31 =	simm.s32 $0x7;
	s0 =	simm.s32 @!p2 $0x2  }
0x34: {  	s29 =	sadd.s32 $0x1000, s17;
	s30 =	sadd.s32 $0x20, s18;
	_ =	swait.ge @!p2 [sflag:s0], $0x80  }
0x35: {  	s28 =	sadd.s32 $0x1000, s2;
	s25 =	simm.s32 $0x5;
	[sflag:s0] =	ssyncset.done @!p2 $0x0  }
0x36: {  	s26 =	sadd.s32 $0x20, s1;
	s15 =	simm.s32 @!p2 $0x4;
	[sflag:s0] =	ssyncadd.s32 @!p2 $0xFFFFFF80  }
0x37: {  	s21 =	simm.s32 @!p2 $0x5;
	p0 =	sle.u32 @!p2 s6, $0x3;
	_ =	swait.ge @!p2 [sflag:s15], $0x4000  }
0x38: {  	s16 =	simm.s32 @!p2 $0x4100;
	p3 =	por p0, p2;
	[sflag:s15] =	ssyncset.done @!p2 $0x0  }
0x39: {  	p0 =	sle.u32 s6, $0x2;
	s0 =	simm.s32 @!p2 $0x80;
	[sflag:s15] =	ssyncadd.s32 @!p2 $0xFFFFC000  }
0x3a: {  	[spmem:s3] =	stream.indirect.scatter.add.f32 @!p2 [tilespmem:s16], [sflag:$0x5], $0x80, s0, s0, $0xb8;
	[tilespmem:$0x1C100] =	vst v63  }
0x3b: {  	s22 =	simm.s32 @!p3 $0x0;
	s15 =	smov.u32 s2;
	_ =	swait.ge @!p2 [sflag:s21], $0x4000  }
0x3c: {  	s0 =	simm.s32 $0x2;
	s16 =	smov.u32 s1;
	[sflag:s21] =	ssyncset.done @!p2 $0x0  }
.LBB2_2:
0x3d: {  	[sflag:s21] =	ssyncadd.s32 @!p2 $0xFFFFC000;
	s21 =	simm.s32 @!p3 $0x80  }
0x3e: {  	s5 =	simm.s32 @!p3 $0x4100;
	s20 =	smov.u32 s25;
	s25 =	smov.u32 s31  }
0x3f: {  	[tilespmem:s21], [sflag:$0x2] =	stream.linear.gather @!p3 [hbm4b:s16+s22], $0x80, $0x38;
	[tilespmem:$0x1C100] =	vst v63  }
0x40: {  	s31 =	sadd.s32 $0x2, s31;
	s21 =	simm.s32 @!p0 $0x1;
	s16 =	smov.u32 s26  }
0x41: {  	[tilespmem:s5], [sflag:$0x4] =	stream.linear.gather @!p3 [hbm4b:s15+s22], $0x4000, $0x38;
	[tilespmem:$0x1C100] =	vst v63  }
0x42: {  	p1 =	sne.s32 s31, $0x2B;
	s15 =	smov.u32 s28;
	_ =	swait.ge @!p0 [sflag:s21], $0x80  }
0x43: {  	s5 =	simm.s32 @!p0 $0x3;
	[sflag:s21] =	ssyncset.done @!p0 $0x0  }
0x44: {  	[sflag:s21] =	ssyncadd.s32 @!p0 $0xFFFFFF80  }
0x45: {  	s22 =	simm.s32 @!p0 $0x5;
	s21 =	simm.s32 @!p0 $0x100;
	_ =	swait.ge @!p0 [sflag:s5], $0x4000  }
0x46: {  	s8 =	simm.s32 @!p0 $0x80;
	s9 =	simm.s32 @!p0 $0x0;
	[sflag:s5] =	ssyncset.done @!p0 $0x0  }
0x47: {  	[sflag:s5] =	ssyncadd.s32 @!p0 $0xFFFFC000;
	s5 =	sadd.s32 @!p0 $0xFFFFFFFF, s20  }
0x48: {  	[spmem:s3] =	stream.indirect.scatter.add.f32 @!p0 [tilespmem:s21], [sflag:$0x5], $0x80, s9, s8, $0xb8;
	[tilespmem:$0x1C100] =	vst v63  }
0x49: {  	p2 =	sge.u32 @!p0 s5, s6;
	_ =	swait.ge @!p0 [sflag:s22], $0x4000  }
0x4a: {  	p3 =	por p2, p0;
	[sflag:s22] =	ssyncset.done @!p0 $0x0  }
0x4b: {  	s5 =	simm.s32 @!p3 $0x0;
	[sflag:s22] =	ssyncadd.s32 @!p0 $0xFFFFC000  }
0x4c: {  	[tilespmem:s5], [sflag:$0x1] =	stream.linear.gather @!p3 [hbm4b:s30+s5], $0x80, $0x38;
	[tilespmem:$0x1C100] =	vst v63  }
0x4d: {  	p2 =	sge.u32 s0, s12;
	s8 =	simm.s32 @!p3 $0x100  }
0x4e: {  	[tilespmem:s8], [sflag:$0x3] =	stream.linear.gather @!p3 [hbm4b:s29+s5], $0x4000, $0x38;
	[tilespmem:$0x1C100] =	vst v63  }
0x4f: {  	s0 =	simm.s32 @!p2 $0x2  }
0x50: {  	_ =	swait.ge @!p2 [sflag:s0], $0x80  }
0x51: {  	s26 =	sadd.s32 $0x20, s26;
	s5 =	simm.s32 @!p2 $0x4;
	[sflag:s0] =	ssyncset.done @!p2 $0x0  }
0x52: {  	s30 =	sadd.s32 $0x20, s30;
	s29 =	sadd.s32 $0x1000, s29;
	[sflag:s0] =	ssyncadd.s32 @!p2 $0xFFFFFF80  }
0x53: {  	s21 =	simm.s32 @!p2 $0x5;
	s8 =	simm.s32 @!p2 $0x4100;
	_ =	swait.ge @!p2 [sflag:s5], $0x4000  }
.Ltmp0:
0x54: {  	s0 =	simm.s32 @!p2 $0x80;
	[sflag:s5] =	ssyncset.done @!p2 $0x0;
	(pc) =	sbr.rel @p1 .LBB2_2-.Ltmp0, $4  }
0x55: {  	s28 =	sadd.s32 $0x1000, s28;
	p0 =	sge.u32 @!p2 s20, s6;
	[sflag:s5] =	ssyncadd.s32 @!p2 $0xFFFFC000  }
0x56: {  	[spmem:s3] =	stream.indirect.scatter.add.f32 @!p2 [tilespmem:s8], [sflag:$0x5], $0x80, s0, s0, $0xb8;
	[tilespmem:$0x1C100] =	vst v63  }
0x57: {  	p3 =	por p0, p2;
	s0 =	sadd.s32 $0xFFFFFFFD, s25;
	_ =	swait.ge @!p2 [sflag:s21], $0x4000  }
0x58: {  	s22 =	simm.s32 @!p3 $0x0;
	p0 =	sge.u32 s0, s6;
	[sflag:s21] =	ssyncset.done @!p2 $0x0  }
0x59: {  	[sflag:s21] =	ssyncadd.s32 @!p2 $0xFFFFC000;
	s5 =	simm.s32 @!p3 $0x80  }
0x5a: {  	[tilespmem:s5], [sflag:$0x2] =	stream.linear.gather @!p3 [hbm4b:s16+s22], $0x80, $0x38;
	[tilespmem:$0x1C100] =	vst v63  }
0x5b: {  	s8 =	simm.s32 @!p0 $0x1;
	s5 =	simm.s32 @!p3 $0x4100  }
0x5c: {  	[tilespmem:s5], [sflag:$0x4] =	stream.linear.gather @!p3 [hbm4b:s15+s22], $0x4000, $0x38;
	[tilespmem:$0x1C100] =	vst v63  }
0x5d: {  	_ =	swait.ge @!p0 [sflag:s8], $0x80  }
0x5e: {  	[sflag:s8] =	ssyncset.done @!p0 $0x0  }
0x5f: {  	s5 =	simm.s32 @!p0 $0x3;
	[sflag:s8] =	ssyncadd.s32 @!p0 $0xFFFFFF80  }
0x60: {  	s9 =	simm.s32 @!p0 $0x5;
	_ =	swait.ge @!p0 [sflag:s5], $0x4000  }
0x61: {  	s16 =	simm.s32 @!p0 $0x0;
	s15 =	simm.s32 @!p0 $0x80;
	[sflag:s5] =	ssyncset.done @!p0 $0x0  }
0x62: {  	s8 =	simm.s32 @!p0 $0x100;
	[sflag:s5] =	ssyncadd.s32 @!p0 $0xFFFFC000;
	s5 =	sadd.s32 @!p0 $0xFFFFFFFF, s25  }
0x63: {  	[spmem:s3] =	stream.indirect.scatter.add.f32 @!p0 [tilespmem:s8], [sflag:$0x5], $0x80, s16, s15, $0xb8;
	[tilespmem:$0x1C100] =	vst v63  }
0x64: {  	p1 =	sge.u32 @!p0 s5, s6;
	_ =	swait.ge @!p0 [sflag:s9], $0x4000  }
0x65: {  	p1 =	por p1, p0;
	[sflag:s9] =	ssyncset.done @!p0 $0x0  }
0x66: {  	s5 =	simm.s32 @!p1 $0x0;
	[sflag:s9] =	ssyncadd.s32 @!p0 $0xFFFFC000;
	p0 =	sge.u32 s0, s12  }
0x67: {  	[tilespmem:s5], [sflag:$0x1] =	stream.linear.gather @!p1 [hbm4b:s30+s5], $0x80, $0x38;
	[tilespmem:$0x1C100] =	vst v63  }
0x68: {  	s8 =	simm.s32 @!p1 $0x100;
	s0 =	simm.s32 @!p0 $0x2  }
0x69: {  	[tilespmem:s8], [sflag:$0x3] =	stream.linear.gather @!p1 [hbm4b:s29+s5], $0x4000, $0x38;
	[tilespmem:$0x1C100] =	vst v63  }
0x6a: {  	_ =	swait.ge @!p0 [sflag:s0], $0x80  }
0x6b: {  	[sflag:s0] =	ssyncset.done @!p0 $0x0  }
0x6c: {  	s5 =	simm.s32 @!p0 $0x4;
	[sflag:s0] =	ssyncadd.s32 @!p0 $0xFFFFFF80  }
0x6d: {  	_ =	swait.ge @!p0 [sflag:s5], $0x4000  }
0x6e: {  	s9 =	simm.s32 @!p0 $0x4100;
	[sflag:s5] =	ssyncset.done @!p0 $0x0  }
0x6f: {  	s8 =	simm.s32 @!p0 $0x80;
	s0 =	simm.s32 @!p0 $0x5;
	[sflag:s5] =	ssyncadd.s32 @!p0 $0xFFFFC000  }
0x70: {  	[spmem:s3] =	stream.indirect.scatter.add.f32 @!p0 [tilespmem:s9], [sflag:$0x5], $0x80, s8, s8, $0xb8;
	[tilespmem:$0x1C100] =	vst v63  }
0x71: {  	p1 =	sge.u32 @!p0 s25, s6;
	_ =	swait.ge @!p0 [sflag:s0], $0x4000  }
0x72: {  	p1 =	por p1, p0;
	[sflag:s0] =	ssyncset.done @!p0 $0x0  }
0x73: {  	s5 =	simm.s32 @!p1 $0x0;
	[sflag:s0] =	ssyncadd.s32 @!p0 $0xFFFFC000;
	s0 =	simm.s32 @!p1 $0x80  }
0x74: {  	[tilespmem:s0], [sflag:$0x2] =	stream.linear.gather @!p1 [hbm4b:s26+s5], $0x80, $0x38;
	[tilespmem:$0x1C100] =	vst v63  }
0x75: {  	s0 =	simm.s32 @!p1 $0x4100  }
0x76: {  	[tilespmem:s0], [sflag:$0x4] =	stream.linear.gather @!p1 [hbm4b:s28+s5], $0x4000, $0x38;
	[tilespmem:$0x1C100] =	vst v63  }
0x77: {  	[bflag:$0x0] =	sbarrier.arrive $0xFFFF  }
0x78: {  	_ =	sdelay $0x7ff  }
0x79: {  	s23 =	sadd.s32 $0x1, s23;
	_ =	sdelay $0x7ff  }
0x7a: {  	p0 =	sne.s32 s23, s14;
	_ =	sdelay $0x5ad  }
.Ltmp1:
0x7b: {  	[bflag:$0x0] =	sbarrier.arrive $0xFFFF;
	(pc) =	sbr.rel @p0 .LBB2_1-.Ltmp1, $4  }
0x7c: {  	[hbm:s13], [sflag:s7] =	dma.local [spmem:s24], $0x2800  }
0x7d: {  	_ =	swait.ge [sflag:s19], $0x2800  }
0x7e: {  	[sflag:s19] =	ssyncset.done $0x0  }
0x7f: {  	[sflag:s19] =	ssyncadd.s32 $0xFFFFD800  }
0x80: {  	_ =	sfence.sel $0x180000  }
0x81: {  	[bflag:$0x0] =	sbarrier.arrive $0xFFFF  }
0x82: {  	_ =	strace $0x9000004A  }
0x83: {  	s0 =	stileid.u32;
	[bflag:$0x2] =	sbarrier.arrive $0xFFFF  }
0x84: {  	p0 =	sne.s32 s0, $0x0;
	s0 =	rddreg [dreg:$0x4]  }
0x85: {  	s0 =	sadd.s32 @!p0 $0x100000, s0  }
0x86: {  	[sflag:s0] =	ssyncadd.tile.s32 @!p0 $0x1;
	_ =	shalt  }
.Lfunc_end2:
_tile_overlayer_lowered:
.L_overlay_start_2:
0x87: {  	(tag) =	ssettag $0x2  }
0x88: {  	s0 =	rddreg [dreg:$0x0];
	s2 =	stileid.u32  }
0x89: {  	s1 =	rddreg [dreg:$0x1];
	p0 =	sne.s32 s2, $0x0  }
0x8a: {  	s3 =	rddreg [dreg:$0x2];
	[bflag:$0x3] =	sbarrier.arrive $0xFFFF;
	s2 =	simm.s32 @!p0 $0x1C05  }
0x8b: {  	[timem:s3], [sflag:s2] =	dma.local @!p0 [hbm:s0], s1  }
0x8c: {  	s0 =	simm.s32 @!p0 $0x5  }
0x8d: {  	_ =	swait.ge @!p0 [sflag:s0], s1  }
0x8e: {  	s1 =	ssub.s32 @!p0 $0x0, s1;
	[sflag:s0] =	ssyncset.done @!p0 $0x0  }
0x8f: {  	[sflag:s0] =	ssyncadd.s32 @!p0 s1  }
0x90: {  	[bflag:$0x3] =	sbarrier.arrive $0xFFFF  }
0x91: {  	_ =	shalt  }

</sc_bundles>
